<compile_context>
chip_gen: v7x
topology: tpu7x:2x2x1
jax: 0.10.2.dev20260603
libtpu: 0.0.44.dev20260713+nightly
codegen_flags: <defaults>
</compile_context>

<pallas_src>
import functools

import numpy as np
import jax
import jax.numpy as jnp
from jax import lax
from jax.experimental import pallas as pl
from jax.experimental.pallas import tpu as pltpu
from jax.experimental.pallas import tpu_sc as plsc

N = 10000
E = 160000
D = 128

NC = 2
NS = 16
NW = NC * NS
LANES = 16
AW = D
CHUNK = 40
NUM_CHUNKS = E // CHUNK
NCHUNK = 4096
CPT = NCHUNK // NW
IB = 8
EPAD = NCHUNK * CHUNK
TRASH = 10200
NPAD = 10240
ROWS_PER_TILE = NPAD // NS

def _rnf(dtype):
    return jax.random.normal(jax.random.key(42), (N, D), dtype=dtype)


def _node_mm_body(haug_ref, wa_ref, wc_ref, a_ref, b_ref):
    x = haug_ref[...]
    a_ref[...] = jnp.dot(x, wa_ref[...], preferred_element_type=jnp.float32)
    b_ref[...] = jnp.dot(x, wc_ref[...], preferred_element_type=jnp.float32)


def _node_mm(h_aug, w1a, w1c):
    blk = 1000
    return pl.pallas_call(
        _node_mm_body,
        grid=(N // blk,),
        in_specs=[
            pl.BlockSpec((blk, 2 * D), lambda i: (i, 0)),
            pl.BlockSpec((2 * D, D), lambda i: (0, 0)),
            pl.BlockSpec((2 * D, D), lambda i: (0, 0)),
        ],
        out_specs=[
            pl.BlockSpec((blk, D), lambda i: (i, 0)),
            pl.BlockSpec((blk, D), lambda i: (i, 0)),
        ],
        out_shape=[
            jax.ShapeDtypeStruct((N, D), jnp.float32),
            jax.ShapeDtypeStruct((N, D), jnp.float32),
        ],
    )(h_aug, w1a, w1c)


def _edge_mm_body(e_ref, w_ref, b_ref, c_ref):
    c_ref[...] = (
        jnp.dot(e_ref[...], w_ref[...], preferred_element_type=jnp.float32)
        + b_ref[...]
    )


def _edge_mm(e, w1b, b1):
    blk = 2000
    return pl.pallas_call(
        _edge_mm_body,
        grid=(E // blk,),
        in_specs=[
            pl.BlockSpec((blk, D), lambda i: (i, 0)),
            pl.BlockSpec((D, D), lambda i: (0, 0)),
            pl.BlockSpec((D,), lambda i: (0,)),
        ],
        out_specs=pl.BlockSpec((blk, D), lambda i: (i, 0)),
        out_shape=jax.ShapeDtypeStruct((E, D), jnp.float32),
    )(e, w1b, b1)


def _sc_body(a_hbm, b_hbm, c_hbm, srcp_hbm, dstgp_hbm, dstsp_hbm, p_hbm,
             idx_src, idx_dstg, idx_dsts,
             a0, a1, b0, b1, cc0, cc1, out_rows,
             accum, sa0, sa1, sb0, sb1, sc0, sc1):
    cid = lax.axis_index("c")
    sid = lax.axis_index("s")
    wid = sid * NC + cid
    c0 = wid * CPT

    def zero_body(j, _):
        for q in range(D // LANES):
            out_rows[j, pl.ds(q * LANES, LANES)] = jnp.zeros((LANES,), jnp.float32)
        return 0

    lax.fori_loop(0, CHUNK, zero_body, 0)
    for k in range(ROWS_PER_TILE // CHUNK):
        pltpu.sync_copy(out_rows,
                        accum.at[pl.ds(sid * ROWS_PER_TILE + k * CHUNK, CHUNK)])
    plsc.subcore_barrier()

    def start0(j, k):
        pltpu.async_copy(a_hbm.at[idx_src.at[j]], a0, sa0)
        pltpu.async_copy(b_hbm.at[idx_dstg.at[j]], b0, sb0)

        @pl.when(k < NUM_CHUNKS)
        def _():
            pltpu.async_copy(c_hbm.at[pl.ds(k * CHUNK, CHUNK)], cc0, sc0)

    def wait0(j, k):
        pltpu.make_async_copy(a_hbm.at[idx_src.at[j]], a0, sa0).wait()
        pltpu.make_async_copy(b_hbm.at[idx_dstg.at[j]], b0, sb0).wait()

        @pl.when(k < NUM_CHUNKS)
        def _():
            pltpu.make_async_copy(c_hbm.at[pl.ds(k * CHUNK, CHUNK)], cc0, sc0).wait()

    def start1(j, k):
        pltpu.async_copy(a_hbm.at[idx_src.at[j]], a1, sa1)
        pltpu.async_copy(b_hbm.at[idx_dstg.at[j]], b1, sb1)

        @pl.when(k < NUM_CHUNKS)
        def _():
            pltpu.async_copy(c_hbm.at[pl.ds(k * CHUNK, CHUNK)], cc1, sc1)

    def wait1(j, k):
        pltpu.make_async_copy(a_hbm.at[idx_src.at[j]], a1, sa1).wait()
        pltpu.make_async_copy(b_hbm.at[idx_dstg.at[j]], b1, sb1).wait()

        @pl.when(k < NUM_CHUNKS)
        def _():
            pltpu.make_async_copy(c_hbm.at[pl.ds(k * CHUNK, CHUNK)], cc1, sc1).wait()

    def compute(ar, br, cr):
        def row_body(r, _):
            for q in range(D // LANES):
                sl = pl.ds(q * LANES, LANES)
                out_rows[r, sl] = jnp.maximum(ar[r, sl] + br[r, sl] + cr[r, sl], 0.0)
            return 0

        lax.fori_loop(0, CHUNK, row_body, 0)

    def group_body(g, _):
        gbase = c0 + g * IB
        pltpu.sync_copy(srcp_hbm.at[pl.ds(gbase, IB)], idx_src)
        pltpu.sync_copy(dstgp_hbm.at[pl.ds(gbase, IB)], idx_dstg)
        pltpu.sync_copy(dstsp_hbm.at[pl.ds(gbase, IB)], idx_dsts)
        start0(0, gbase)

        def pair_body(i, _):
            j0 = 2 * i
            k0 = gbase + j0
            start1(j0 + 1, k0 + 1)
            wait0(j0, k0)
            compute(a0, b0, cc0)
            pltpu.sync_copy(out_rows, accum.at[idx_dsts.at[j0]], add=True)
            @pl.when(j0 + 2 < IB)
            def _():
                start0(j0 + 2, k0 + 2)

            wait1(j0 + 1, k0 + 1)
            compute(a1, b1, cc1)
            pltpu.sync_copy(out_rows, accum.at[idx_dsts.at[j0 + 1]], add=True)
            return 0

        lax.fori_loop(0, IB // 2, pair_body, 0)
        return 0

    lax.fori_loop(0, CPT // IB, group_body, 0)
    plsc.subcore_barrier()

    r0 = sid * ROWS_PER_TILE

    @pl.when(cid == 0)
    def _():
        pltpu.sync_copy(accum.at[pl.ds(r0, ROWS_PER_TILE)],
                        p_hbm.at[0, pl.ds(r0, ROWS_PER_TILE)])

    @pl.when(cid == 1)
    def _():
        pltpu.sync_copy(accum.at[pl.ds(r0, ROWS_PER_TILE)],
                        p_hbm.at[1, pl.ds(r0, ROWS_PER_TILE)])


def _sc_segment(a, b, c, srcp, dstgp, dstsp):
    mesh = plsc.VectorSubcoreMesh(core_axis_name="c", subcore_axis_name="s")
    k = pl.kernel(
        _sc_body,
        out_type=jax.ShapeDtypeStruct((NC, NPAD, AW), jnp.float32),
        mesh=mesh,
        scratch_types=[
            pltpu.VMEM((IB, CHUNK), jnp.int32),
            pltpu.VMEM((IB, CHUNK), jnp.int32),
            pltpu.VMEM((IB, CHUNK), jnp.int32),
            pltpu.VMEM((CHUNK, D), jnp.float32),
            pltpu.VMEM((CHUNK, D), jnp.float32),
            pltpu.VMEM((CHUNK, D), jnp.float32),
            pltpu.VMEM((CHUNK, D), jnp.float32),
            pltpu.VMEM((CHUNK, D), jnp.float32),
            pltpu.VMEM((CHUNK, D), jnp.float32),
            pltpu.VMEM((CHUNK, AW), jnp.float32),
            pltpu.VMEM_SHARED((NPAD, AW), jnp.float32),
            pltpu.SemaphoreType.DMA,
            pltpu.SemaphoreType.DMA,
            pltpu.SemaphoreType.DMA,
            pltpu.SemaphoreType.DMA,
            pltpu.SemaphoreType.DMA,
            pltpu.SemaphoreType.DMA,
        ],
    )
    return k(a, b, c, srcp, dstgp, dstsp)


def _update_body(p_ref, h_ref, w2_ref, u1a_ref, u1b_ref, bu1_ref,
                 u2_ref, bu2_ref, o_ref):
    s = p_ref[0] + p_ref[1]
    m_sum = jnp.dot(s, w2_ref[...], preferred_element_type=jnp.float32)
    z = (
        jnp.dot(m_sum, u1a_ref[...], preferred_element_type=jnp.float32)
        + jnp.dot(h_ref[...], u1b_ref[...], preferred_element_type=jnp.float32)
        + bu1_ref[...]
    )
    t = jnp.maximum(z, 0.0)
    o_ref[...] = (
        jnp.dot(t, u2_ref[...], preferred_element_type=jnp.float32)
        + bu2_ref[...]
    )


def _update(p, h, w2, u1a, u1b, bu1, u2, bu2):
    blk = 1000
    return pl.pallas_call(
        _update_body,
        grid=(N // blk,),
        in_specs=[
            pl.BlockSpec((NC, blk, AW), lambda i: (0, i, 0)),
            pl.BlockSpec((blk, D), lambda i: (i, 0)),
            pl.BlockSpec((D, D), lambda i: (0, 0)),
            pl.BlockSpec((D, D), lambda i: (0, 0)),
            pl.BlockSpec((D, D), lambda i: (0, 0)),
            pl.BlockSpec((D,), lambda i: (0,)),
            pl.BlockSpec((D, D), lambda i: (0, 0)),
            pl.BlockSpec((D,), lambda i: (0,)),
        ],
        out_specs=pl.BlockSpec((blk, D), lambda i: (i, 0)),
        out_shape=jax.ShapeDtypeStruct((N, D), jnp.float32),
    )(p, h, w2, u1a, u1b, bu1, u2, bu2)


def kernel(h, e, edge_index, W1, b1, W2, b2, U1, bu1, U2, bu2):
    h_aug = jnp.concatenate([h, _rnf(h.dtype)], axis=-1)
    w1a = W1[: 2 * D]
    w1b = W1[2 * D: 3 * D]
    w1c = W1[3 * D:]
    u1a = U1[:D]
    u1b = U1[D:]
    src = edge_index[0]
    dst = edge_index[1]
    npad = EPAD - E
    srcp = jnp.concatenate([src, jnp.zeros((npad,), jnp.int32)]).reshape(NCHUNK, CHUNK)
    dstgp = jnp.concatenate([dst, jnp.zeros((npad,), jnp.int32)]).reshape(NCHUNK, CHUNK)
    dstsp = jnp.concatenate([dst, jnp.full((npad,), TRASH, jnp.int32)]).reshape(NCHUNK, CHUNK)

    a, b = _node_mm(h_aug, w1a, w1c)
    c = _edge_mm(e, w1b, b1)
    p = _sc_segment(a, b, c, srcp, dstgp, dstsp)
    h_new = _update(p, h, W2, u1a, u1b, bu1, U2, bu2)
    return (h_new, e)

# --- scband reference (transcript-rebuilt; emitter-appended) ---
"""Pipeline reference for scband-mpnnlayer-30382598652103 (READ-ONLY COPY).

The authoritative reference and input builder live on the scoring server;
editing this copy changes nothing except your own understanding.
"""

import jax, jax.numpy as jnp
import numpy as np

N = 10000
E = 160000
D = 128


def setup_inputs(seed: int = 0) -> dict:
    key = jax.random.key(seed)
    ks = jax.random.split(key, 12)
    h = jax.random.normal(ks[0], (N, D), dtype=jnp.float32)
    e = jax.random.normal(ks[1], (E, D), dtype=jnp.float32)
    edge_index = jax.random.randint(ks[2], (2, E), 0, N, dtype=jnp.int32)
    # message_fn: Linear(5D -> D), ReLU, Linear(D -> D)
    W1 = jax.random.normal(ks[3], (5 * D, D), dtype=jnp.float32) * (1.0 / np.sqrt(5 * D))
    b1 = jnp.zeros((D,), dtype=jnp.float32)
    W2 = jax.random.normal(ks[4], (D, D), dtype=jnp.float32) * (1.0 / np.sqrt(D))
    b2 = jnp.zeros((D,), dtype=jnp.float32)
    # update_fn: Linear(2D -> D), ReLU, Linear(D -> D)
    U1 = jax.random.normal(ks[5], (2 * D, D), dtype=jnp.float32) * (1.0 / np.sqrt(2 * D))
    bu1 = jnp.zeros((D,), dtype=jnp.float32)
    U2 = jax.random.normal(ks[6], (D, D), dtype=jnp.float32) * (1.0 / np.sqrt(D))
    bu2 = jnp.zeros((D,), dtype=jnp.float32)
    return {"h": h, "e": e, "edge_index": edge_index,
            "W1": W1, "b1": b1, "W2": W2, "b2": b2,
            "U1": U1, "bu1": bu1, "U2": U2, "bu2": bu2}


def reference(h, e, edge_index, W1, b1, W2, b2, U1, bu1, U2, bu2):
    src = edge_index[0]
    dst = edge_index[1]
    # rnf=True branch: concat random node features onto h
    rnf = jax.random.normal(jax.random.key(42), h.shape, dtype=h.dtype)
    h_aug = jnp.concatenate([h, rnf], axis=-1)  # [N, 2D]
    # message: cat([src_h, e, dst_h]) -> MLP  => [E, 5D] -> [E, D]
    msg_input = jnp.concatenate([h_aug[src], e, h_aug[dst]], axis=1)
    m = jax.nn.relu(msg_input @ W1 + b1) @ W2 + b2  # [E, D]
    # fn.sum('m', 'm_sum'): scatter-add messages onto destination nodes
    m_sum = jax.ops.segment_sum(m, dst, num_segments=N)  # [N, D]
    # update: cat([m_sum, h]) -> MLP
    upd_input = jnp.concatenate([m_sum, h], axis=-1)  # [N, 2D]
    h_new = jax.nn.relu(upd_input @ U1 + bu1) @ U2 + bu2  # [N, D]
    return (h_new, e)

if __name__ == "__main__":
    import jax
    _d = setup_inputs()
    print(jax.jit(kernel)(*tuple(_d.values())))

</pallas_src>

<mosaic_0001>
#map = affine_map<(d0, d1) -> (0, 0)>
#map1 = affine_map<(d0, d1) -> (0, 0, 0)>
module attributes {stable_mosaic.version = 14 : i64} {
  func.func @_sc_body(%arg0: i32, %arg1: i32, %arg2: memref<10000x128xf32, #tpu.memory_space<hbm>>, %arg3: memref<10000x128xf32, #tpu.memory_space<hbm>>, %arg4: memref<160000x128xf32, #tpu.memory_space<hbm>>, %arg5: memref<4096x40xi32, #tpu.memory_space<hbm>>, %arg6: memref<4096x40xi32, #tpu.memory_space<hbm>>, %arg7: memref<4096x40xi32, #tpu.memory_space<hbm>>, %arg8: memref<2x10240x128xf32, #tpu.memory_space<hbm>>, %arg9: memref<8x40xi32, #tpu.memory_space<vmem>>, %arg10: memref<8x40xi32, #tpu.memory_space<vmem>>, %arg11: memref<8x40xi32, #tpu.memory_space<vmem>>, %arg12: memref<40x128xf32, #tpu.memory_space<vmem>>, %arg13: memref<40x128xf32, #tpu.memory_space<vmem>>, %arg14: memref<40x128xf32, #tpu.memory_space<vmem>>, %arg15: memref<40x128xf32, #tpu.memory_space<vmem>>, %arg16: memref<40x128xf32, #tpu.memory_space<vmem>>, %arg17: memref<40x128xf32, #tpu.memory_space<vmem>>, %arg18: memref<40x128xf32, #tpu.memory_space<vmem>>, %arg19: memref<10240x128xf32, #tpu.memory_space<vmem_shared>>, %arg20: memref<!tpu.dma_semaphore, #tpu.memory_space<semaphore_mem>>, %arg21: memref<!tpu.dma_semaphore, #tpu.memory_space<semaphore_mem>>, %arg22: memref<!tpu.dma_semaphore, #tpu.memory_space<semaphore_mem>>, %arg23: memref<!tpu.dma_semaphore, #tpu.memory_space<semaphore_mem>>, %arg24: memref<!tpu.dma_semaphore, #tpu.memory_space<semaphore_mem>>, %arg25: memref<!tpu.dma_semaphore, #tpu.memory_space<semaphore_mem>>) attributes {dimension_semantics = [#tpu.dimension_semantics<core_parallel>, #tpu.dimension_semantics<subcore_parallel>], iteration_bounds = array<i64: 2, 16>, scalar_prefetch = 0 : i64, scratch_operands = 17 : i64, tpu.core_type = #tpu.core_type<sc_vector_subcore>, window_params = [{transform_indices = #map}, {transform_indices = #map}, {transform_indices = #map}, {transform_indices = #map}, {transform_indices = #map}, {transform_indices = #map}, {transform_indices = #map1}]} {
    %mul3A = arith.constant 2 : i32
    %mul3A_0 = arith.muli %arg1, %mul3A : i32
    %add3A = arith.addi %mul3A_0, %arg0 : i32
    %mul3A_1 = arith.constant 128 : i32
    %mul3A_2 = arith.muli %add3A, %mul3A_1 : i32
    %scan3A = arith.constant 0 : i32
    %scan3A_3 = arith.constant 0 : i32
    %scan3A_4 = arith.constant 40 : i32
    %scan3A_5 = arith.addi %scan3A_3, %scan3A_4 : i32
    %scan3A_6 = arith.constant 1 : i32
    %scan3A_7 = scf.for %scan3A_90 = %scan3A_3 to %scan3A_5 step %scan3A_6 iter_args(%scan3A_91 = %scan3A) -> (i32)  : i32 {
      %broadcast_in_dim3A = arith.constant 0.000000e+00 : f32
      %broadcast_in_dim3A_92 = vector.broadcast %broadcast_in_dim3A : f32 to vector<16xf32>
      %swap3A = arith.index_cast %scan3A_90 : i32 to index
      %swap3A_93 = arith.constant 0 : index
      %swap3A_94 = tpu.vector_load %arg18[%swap3A, %swap3A_93] {strides = array<i32>} : memref<40x128xf32, #tpu.memory_space<vmem>>, vector<1x16xf32>,
      %swap3A_95 = vector.shape_cast %swap3A_94 : vector<1x16xf32> to vector<16xf32>
      %swap3A_96 = vector.shape_cast %broadcast_in_dim3A_92 : vector<16xf32> to vector<1x16xf32>
      tpu.vector_store %arg18[%swap3A, %swap3A_93], %swap3A_96 {strides = array<i32>} : memref<40x128xf32, #tpu.memory_space<vmem>>, vector<1x16xf32>,
      %broadcast_in_dim3A_97 = arith.constant 0.000000e+00 : f32
      %broadcast_in_dim3A_98 = vector.broadcast %broadcast_in_dim3A_97 : f32 to vector<16xf32>
      %swap3A_99 = arith.index_cast %scan3A_90 : i32 to index
      %swap3A_100 = arith.constant 16 : index
      %swap3A_101 = tpu.vector_load %arg18[%swap3A_99, %swap3A_100] {strides = array<i32>} : memref<40x128xf32, #tpu.memory_space<vmem>>, vector<1x16xf32>,
      %swap3A_102 = vector.shape_cast %swap3A_101 : vector<1x16xf32> to vector<16xf32>
      %swap3A_103 = vector.shape_cast %broadcast_in_dim3A_98 : vector<16xf32> to vector<1x16xf32>
      tpu.vector_store %arg18[%swap3A_99, %swap3A_100], %swap3A_103 {strides = array<i32>} : memref<40x128xf32, #tpu.memory_space<vmem>>, vector<1x16xf32>,
      %broadcast_in_dim3A_104 = arith.constant 0.000000e+00 : f32
      %broadcast_in_dim3A_105 = vector.broadcast %broadcast_in_dim3A_104 : f32 to vector<16xf32>
      %swap3A_106 = arith.index_cast %scan3A_90 : i32 to index
      %swap3A_107 = arith.constant 32 : index
      %swap3A_108 = tpu.vector_load %arg18[%swap3A_106, %swap3A_107] {strides = array<i32>} : memref<40x128xf32, #tpu.memory_space<vmem>>, vector<1x16xf32>,
      %swap3A_109 = vector.shape_cast %swap3A_108 : vector<1x16xf32> to vector<16xf32>
      %swap3A_110 = vector.shape_cast %broadcast_in_dim3A_105 : vector<16xf32> to vector<1x16xf32>
      tpu.vector_store %arg18[%swap3A_106, %swap3A_107], %swap3A_110 {strides = array<i32>} : memref<40x128xf32, #tpu.memory_space<vmem>>, vector<1x16xf32>,
      %broadcast_in_dim3A_111 = arith.constant 0.000000e+00 : f32
      %broadcast_in_dim3A_112 = vector.broadcast %broadcast_in_dim3A_111 : f32 to vector<16xf32>
      %swap3A_113 = arith.index_cast %scan3A_90 : i32 to index
      %swap3A_114 = arith.constant 48 : index
      %swap3A_115 = tpu.vector_load %arg18[%swap3A_113, %swap3A_114] {strides = array<i32>} : memref<40x128xf32, #tpu.memory_space<vmem>>, vector<1x16xf32>,
      %swap3A_116 = vector.shape_cast %swap3A_115 : vector<1x16xf32> to vector<16xf32>
      %swap3A_117 = vector.shape_cast %broadcast_in_dim3A_112 : vector<16xf32> to vector<1x16xf32>
      tpu.vector_store %arg18[%swap3A_113, %swap3A_114], %swap3A_117 {strides = array<i32>} : memref<40x128xf32, #tpu.memory_space<vmem>>, vector<1x16xf32>,
      %broadcast_in_dim3A_118 = arith.constant 0.000000e+00 : f32
      %broadcast_in_dim3A_119 = vector.broadcast %broadcast_in_dim3A_118 : f32 to vector<16xf32>
      %swap3A_120 = arith.index_cast %scan3A_90 : i32 to index
      %swap3A_121 = arith.constant 64 : index
      %swap3A_122 = tpu.vector_load %arg18[%swap3A_120, %swap3A_121] {strides = array<i32>} : memref<40x128xf32, #tpu.memory_space<vmem>>, vector<1x16xf32>,
      %swap3A_123 = vector.shape_cast %swap3A_122 : vector<1x16xf32> to vector<16xf32>
      %swap3A_124 = vector.shape_cast %broadcast_in_dim3A_119 : vector<16xf32> to vector<1x16xf32>
      tpu.vector_store %arg18[%swap3A_120, %swap3A_121], %swap3A_124 {strides = array<i32>} : memref<40x128xf32, #tpu.memory_space<vmem>>, vector<1x16xf32>,
      %broadcast_in_dim3A_125 = arith.constant 0.000000e+00 : f32
      %broadcast_in_dim3A_126 = vector.broadcast %broadcast_in_dim3A_125 : f32 to vector<16xf32>
      %swap3A_127 = arith.index_cast %scan3A_90 : i32 to index
      %swap3A_128 = arith.constant 80 : index
      %swap3A_129 = tpu.vector_load %arg18[%swap3A_127, %swap3A_128] {strides = array<i32>} : memref<40x128xf32, #tpu.memory_space<vmem>>, vector<1x16xf32>,
      %swap3A_130 = vector.shape_cast %swap3A_129 : vector<1x16xf32> to vector<16xf32>
      %swap3A_131 = vector.shape_cast %broadcast_in_dim3A_126 : vector<16xf32> to vector<1x16xf32>
      tpu.vector_store %arg18[%swap3A_127, %swap3A_128], %swap3A_131 {strides = array<i32>} : memref<40x128xf32, #tpu.memory_space<vmem>>, vector<1x16xf32>,
      %broadcast_in_dim3A_132 = arith.constant 0.000000e+00 : f32
      %broadcast_in_dim3A_133 = vector.broadcast %broadcast_in_dim3A_132 : f32 to vector<16xf32>
      %swap3A_134 = arith.index_cast %scan3A_90 : i32 to index
      %swap3A_135 = arith.constant 96 : index
      %swap3A_136 = tpu.vector_load %arg18[%swap3A_134, %swap3A_135] {strides = array<i32>} : memref<40x128xf32, #tpu.memory_space<vmem>>, vector<1x16xf32>,
      %swap3A_137 = vector.shape_cast %swap3A_136 : vector<1x16xf32> to vector<16xf32>
      %swap3A_138 = vector.shape_cast %broadcast_in_dim3A_133 : vector<16xf32> to vector<1x16xf32>
      tpu.vector_store %arg18[%swap3A_134, %swap3A_135], %swap3A_138 {strides = array<i32>} : memref<40x128xf32, #tpu.memory_space<vmem>>, vector<1x16xf32>,
      %broadcast_in_dim3A_139 = arith.constant 0.000000e+00 : f32
      %broadcast_in_dim3A_140 = vector.broadcast %broadcast_in_dim3A_139 : f32 to vector<16xf32>
      %swap3A_141 = arith.index_cast %scan3A_90 : i32 to index
      %swap3A_142 = arith.constant 112 : index
      %swap3A_143 = tpu.vector_load %arg18[%swap3A_141, %swap3A_142] {strides = array<i32>} : memref<40x128xf32, #tpu.memory_space<vmem>>, vector<1x16xf32>,
      %swap3A_144 = vector.shape_cast %swap3A_143 : vector<1x16xf32> to vector<16xf32>
      %swap3A_145 = vector.shape_cast %broadcast_in_dim3A_140 : vector<16xf32> to vector<1x16xf32>
      tpu.vector_store %arg18[%swap3A_141, %swap3A_142], %swap3A_145 {strides = array<i32>} : memref<40x128xf32, #tpu.memory_space<vmem>>, vector<1x16xf32>,
      %scan3A_146 = arith.constant 0 : i32
      scf.yield %scan3A_146 : i32
    }
    %scan3A_8 = arith.constant 40 : i32
    %mul3A_9 = arith.constant 640 : i32
    %mul3A_10 = arith.muli %arg1, %mul3A_9 : i32
    %add3A_11 = arith.constant 0 : i32
    %add3A_12 = arith.addi %mul3A_10, %add3A_11 : i32
    "tpu.region"() ({
      %run_scoped3A = tpu.sem_alloc : memref<!tpu.dma_semaphore, #tpu.memory_space<semaphore_mem>>
      %dma_start3A = arith.constant 0 : i32
      %dma_start3A_90 = tpu.memref_slice %arg19[%add3A_12, %dma_start3A] : memref<10240x128xf32, #tpu.memory_space<vmem_shared>> -> memref<40x128xf32, #tpu.memory_space<vmem_shared>>
      %dma_start3A_91 = arith.constant 0 : i32
      %dma_start3A_92 = tpu.memref_slice %arg19[%add3A_12, %dma_start3A_91] : memref<10240x128xf32, #tpu.memory_space<vmem_shared>> -> memref<40x128xf32, #tpu.memory_space<vmem_shared>>
      tpu.enqueue_dma source(%arg18 : memref<40x128xf32, #tpu.memory_space<vmem>>) target(%dma_start3A_92 : memref<40x128xf32, #tpu.memory_space<vmem_shared>>) target_semaphore(%run_scoped3A : memref<!tpu.dma_semaphore, #tpu.memory_space<semaphore_mem>>)
      %dma_wait3A = arith.constant 0 : i32
      %dma_wait3A_93 = tpu.memref_slice %arg19[%add3A_12, %dma_wait3A] : memref<10240x128xf32, #tpu.memory_space<vmem_shared>> -> memref<40x128xf32, #tpu.memory_space<vmem_shared>>
      %dma_wait3A_94 = arith.constant 0 : i32
      %dma_wait3A_95 = tpu.memref_slice %arg19[%add3A_12, %dma_wait3A_94] : memref<10240x128xf32, #tpu.memory_space<vmem_shared>> -> memref<40x128xf32, #tpu.memory_space<vmem_shared>>
      tpu.wait_dma2 semaphore(%run_scoped3A : memref<!tpu.dma_semaphore, #tpu.memory_space<semaphore_mem>>) src(%arg18 : memref<40x128xf32, #tpu.memory_space<vmem>>) dst(%dma_wait3A_95 : memref<40x128xf32, #tpu.memory_space<vmem_shared>>)
      tpu.yield
    }) : () -> ()
    %mul3A_13 = arith.constant 640 : i32
    %mul3A_14 = arith.muli %arg1, %mul3A_13 : i32
    %add3A_15 = arith.constant 40 : i32
    %add3A_16 = arith.addi %mul3A_14, %add3A_15 : i32
    "tpu.region"() ({
      %run_scoped3A = tpu.sem_alloc : memref<!tpu.dma_semaphore, #tpu.memory_space<semaphore_mem>>
      %dma_start3A = arith.constant 0 : i32
      %dma_start3A_90 = tpu.memref_slice %arg19[%add3A_16, %dma_start3A] : memref<10240x128xf32, #tpu.memory_space<vmem_shared>> -> memref<40x128xf32, #tpu.memory_space<vmem_shared>>
      %dma_start3A_91 = arith.constant 0 : i32
      %dma_start3A_92 = tpu.memref_slice %arg19[%add3A_16, %dma_start3A_91] : memref<10240x128xf32, #tpu.memory_space<vmem_shared>> -> memref<40x128xf32, #tpu.memory_space<vmem_shared>>
      tpu.enqueue_dma source(%arg18 : memref<40x128xf32, #tpu.memory_space<vmem>>) target(%dma_start3A_92 : memref<40x128xf32, #tpu.memory_space<vmem_shared>>) target_semaphore(%run_scoped3A : memref<!tpu.dma_semaphore, #tpu.memory_space<semaphore_mem>>)
      %dma_wait3A = arith.constant 0 : i32
      %dma_wait3A_93 = tpu.memref_slice %arg19[%add3A_16, %dma_wait3A] : memref<10240x128xf32, #tpu.memory_space<vmem_shared>> -> memref<40x128xf32, #tpu.memory_space<vmem_shared>>
      %dma_wait3A_94 = arith.constant 0 : i32
      %dma_wait3A_95 = tpu.memref_slice %arg19[%add3A_16, %dma_wait3A_94] : memref<10240x128xf32, #tpu.memory_space<vmem_shared>> -> memref<40x128xf32, #tpu.memory_space<vmem_shared>>
      tpu.wait_dma2 semaphore(%run_scoped3A : memref<!tpu.dma_semaphore, #tpu.memory_space<semaphore_mem>>) src(%arg18 : memref<40x128xf32, #tpu.memory_space<vmem>>) dst(%dma_wait3A_95 : memref<40x128xf32, #tpu.memory_space<vmem_shared>>)
      tpu.yield
    }) : () -> ()
    %mul3A_17 = arith.constant 640 : i32
    %mul3A_18 = arith.muli %arg1, %mul3A_17 : i32
    %add3A_19 = arith.constant 80 : i32
    %add3A_20 = arith.addi %mul3A_18, %add3A_19 : i32
    "tpu.region"() ({
      %run_scoped3A = tpu.sem_alloc : memref<!tpu.dma_semaphore, #tpu.memory_space<semaphore_mem>>
      %dma_start3A = arith.constant 0 : i32
      %dma_start3A_90 = tpu.memref_slice %arg19[%add3A_20, %dma_start3A] : memref<10240x128xf32, #tpu.memory_space<vmem_shared>> -> memref<40x128xf32, #tpu.memory_space<vmem_shared>>
      %dma_start3A_91 = arith.constant 0 : i32
      %dma_start3A_92 = tpu.memref_slice %arg19[%add3A_20, %dma_start3A_91] : memref<10240x128xf32, #tpu.memory_space<vmem_shared>> -> memref<40x128xf32, #tpu.memory_space<vmem_shared>>
      tpu.enqueue_dma source(%arg18 : memref<40x128xf32, #tpu.memory_space<vmem>>) target(%dma_start3A_92 : memref<40x128xf32, #tpu.memory_space<vmem_shared>>) target_semaphore(%run_scoped3A : memref<!tpu.dma_semaphore, #tpu.memory_space<semaphore_mem>>)
      %dma_wait3A = arith.constant 0 : i32
      %dma_wait3A_93 = tpu.memref_slice %arg19[%add3A_20, %dma_wait3A] : memref<10240x128xf32, #tpu.memory_space<vmem_shared>> -> memref<40x128xf32, #tpu.memory_space<vmem_shared>>
      %dma_wait3A_94 = arith.constant 0 : i32
      %dma_wait3A_95 = tpu.memref_slice %arg19[%add3A_20, %dma_wait3A_94] : memref<10240x128xf32, #tpu.memory_space<vmem_shared>> -> memref<40x128xf32, #tpu.memory_space<vmem_shared>>
      tpu.wait_dma2 semaphore(%run_scoped3A : memref<!tpu.dma_semaphore, #tpu.memory_space<semaphore_mem>>) src(%arg18 : memref<40x128xf32, #tpu.memory_space<vmem>>) dst(%dma_wait3A_95 : memref<40x128xf32, #tpu.memory_space<vmem_shared>>)
      tpu.yield
    }) : () -> ()
    %mul3A_21 = arith.constant 640 : i32
    %mul3A_22 = arith.muli %arg1, %mul3A_21 : i32
    %add3A_23 = arith.constant 120 : i32
    %add3A_24 = arith.addi %mul3A_22, %add3A_23 : i32
    "tpu.region"() ({
      %run_scoped3A = tpu.sem_alloc : memref<!tpu.dma_semaphore, #tpu.memory_space<semaphore_mem>>
      %dma_start3A = arith.constant 0 : i32
      %dma_start3A_90 = tpu.memref_slice %arg19[%add3A_24, %dma_start3A] : memref<10240x128xf32, #tpu.memory_space<vmem_shared>> -> memref<40x128xf32, #tpu.memory_space<vmem_shared>>
      %dma_start3A_91 = arith.constant 0 : i32
      %dma_start3A_92 = tpu.memref_slice %arg19[%add3A_24, %dma_start3A_91] : memref<10240x128xf32, #tpu.memory_space<vmem_shared>> -> memref<40x128xf32, #tpu.memory_space<vmem_shared>>
      tpu.enqueue_dma source(%arg18 : memref<40x128xf32, #tpu.memory_space<vmem>>) target(%dma_start3A_92 : memref<40x128xf32, #tpu.memory_space<vmem_shared>>) target_semaphore(%run_scoped3A : memref<!tpu.dma_semaphore, #tpu.memory_space<semaphore_mem>>)
      %dma_wait3A = arith.constant 0 : i32
      %dma_wait3A_93 = tpu.memref_slice %arg19[%add3A_24, %dma_wait3A] : memref<10240x128xf32, #tpu.memory_space<vmem_shared>> -> memref<40x128xf32, #tpu.memory_space<vmem_shared>>
      %dma_wait3A_94 = arith.constant 0 : i32
      %dma_wait3A_95 = tpu.memref_slice %arg19[%add3A_24, %dma_wait3A_94] : memref<10240x128xf32, #tpu.memory_space<vmem_shared>> -> memref<40x128xf32, #tpu.memory_space<vmem_shared>>
      tpu.wait_dma2 semaphore(%run_scoped3A : memref<!tpu.dma_semaphore, #tpu.memory_space<semaphore_mem>>) src(%arg18 : memref<40x128xf32, #tpu.memory_space<vmem>>) dst(%dma_wait3A_95 : memref<40x128xf32, #tpu.memory_space<vmem_shared>>)
      tpu.yield
    }) : () -> ()
    %mul3A_25 = arith.constant 640 : i32
    %mul3A_26 = arith.muli %arg1, %mul3A_25 : i32
    %add3A_27 = arith.constant 160 : i32
    %add3A_28 = arith.addi %mul3A_26, %add3A_27 : i32
    "tpu.region"() ({
      %run_scoped3A = tpu.sem_alloc : memref<!tpu.dma_semaphore, #tpu.memory_space<semaphore_mem>>
      %dma_start3A = arith.constant 0 : i32
      %dma_start3A_90 = tpu.memref_slice %arg19[%add3A_28, %dma_start3A] : memref<10240x128xf32, #tpu.memory_space<vmem_shared>> -> memref<40x128xf32, #tpu.memory_space<vmem_shared>>
      %dma_start3A_91 = arith.constant 0 : i32
      %dma_start3A_92 = tpu.memref_slice %arg19[%add3A_28, %dma_start3A_91] : memref<10240x128xf32, #tpu.memory_space<vmem_shared>> -> memref<40x128xf32, #tpu.memory_space<vmem_shared>>
      tpu.enqueue_dma source(%arg18 : memref<40x128xf32, #tpu.memory_space<vmem>>) target(%dma_start3A_92 : memref<40x128xf32, #tpu.memory_space<vmem_shared>>) target_semaphore(%run_scoped3A : memref<!tpu.dma_semaphore, #tpu.memory_space<semaphore_mem>>)
      %dma_wait3A = arith.constant 0 : i32
      %dma_wait3A_93 = tpu.memref_slice %arg19[%add3A_28, %dma_wait3A] : memref<10240x128xf32, #tpu.memory_space<vmem_shared>> -> memref<40x128xf32, #tpu.memory_space<vmem_shared>>
      %dma_wait3A_94 = arith.constant 0 : i32
      %dma_wait3A_95 = tpu.memref_slice %arg19[%add3A_28, %dma_wait3A_94] : memref<10240x128xf32, #tpu.memory_space<vmem_shared>> -> memref<40x128xf32, #tpu.memory_space<vmem_shared>>
      tpu.wait_dma2 semaphore(%run_scoped3A : memref<!tpu.dma_semaphore, #tpu.memory_space<semaphore_mem>>) src(%arg18 : memref<40x128xf32, #tpu.memory_space<vmem>>) dst(%dma_wait3A_95 : memref<40x128xf32, #tpu.memory_space<vmem_shared>>)
      tpu.yield
    }) : () -> ()
    %mul3A_29 = arith.constant 640 : i32
    %mul3A_30 = arith.muli %arg1, %mul3A_29 : i32
    %add3A_31 = arith.constant 200 : i32
    %add3A_32 = arith.addi %mul3A_30, %add3A_31 : i32
    "tpu.region"() ({
      %run_scoped3A = tpu.sem_alloc : memref<!tpu.dma_semaphore, #tpu.memory_space<semaphore_mem>>
      %dma_start3A = arith.constant 0 : i32
      %dma_start3A_90 = tpu.memref_slice %arg19[%add3A_32, %dma_start3A] : memref<10240x128xf32, #tpu.memory_space<vmem_shared>> -> memref<40x128xf32, #tpu.memory_space<vmem_shared>>
      %dma_start3A_91 = arith.constant 0 : i32
      %dma_start3A_92 = tpu.memref_slice %arg19[%add3A_32, %dma_start3A_91] : memref<10240x128xf32, #tpu.memory_space<vmem_shared>> -> memref<40x128xf32, #tpu.memory_space<vmem_shared>>
      tpu.enqueue_dma source(%arg18 : memref<40x128xf32, #tpu.memory_space<vmem>>) target(%dma_start3A_92 : memref<40x128xf32, #tpu.memory_space<vmem_shared>>) target_semaphore(%run_scoped3A : memref<!tpu.dma_semaphore, #tpu.memory_space<semaphore_mem>>)
      %dma_wait3A = arith.constant 0 : i32
      %dma_wait3A_93 = tpu.memref_slice %arg19[%add3A_32, %dma_wait3A] : memref<10240x128xf32, #tpu.memory_space<vmem_shared>> -> memref<40x128xf32, #tpu.memory_space<vmem_shared>>
      %dma_wait3A_94 = arith.constant 0 : i32
      %dma_wait3A_95 = tpu.memref_slice %arg19[%add3A_32, %dma_wait3A_94] : memref<10240x128xf32, #tpu.memory_space<vmem_shared>> -> memref<40x128xf32, #tpu.memory_space<vmem_shared>>
      tpu.wait_dma2 semaphore(%run_scoped3A : memref<!tpu.dma_semaphore, #tpu.memory_space<semaphore_mem>>) src(%arg18 : memref<40x128xf32, #tpu.memory_space<vmem>>) dst(%dma_wait3A_95 : memref<40x128xf32, #tpu.memory_space<vmem_shared>>)
      tpu.yield
    }) : () -> ()
    %mul3A_33 = arith.constant 640 : i32
    %mul3A_34 = arith.muli %arg1, %mul3A_33 : i32
    %add3A_35 = arith.constant 240 : i32
    %add3A_36 = arith.addi %mul3A_34, %add3A_35 : i32
    "tpu.region"() ({
      %run_scoped3A = tpu.sem_alloc : memref<!tpu.dma_semaphore, #tpu.memory_space<semaphore_mem>>
      %dma_start3A = arith.constant 0 : i32
      %dma_start3A_90 = tpu.memref_slice %arg19[%add3A_36, %dma_start3A] : memref<10240x128xf32, #tpu.memory_space<vmem_shared>> -> memref<40x128xf32, #tpu.memory_space<vmem_shared>>
      %dma_start3A_91 = arith.constant 0 : i32
      %dma_start3A_92 = tpu.memref_slice %arg19[%add3A_36, %dma_start3A_91] : memref<10240x128xf32, #tpu.memory_space<vmem_shared>> -> memref<40x128xf32, #tpu.memory_space<vmem_shared>>
      tpu.enqueue_dma source(%arg18 : memref<40x128xf32, #tpu.memory_space<vmem>>) target(%dma_start3A_92 : memref<40x128xf32, #tpu.memory_space<vmem_shared>>) target_semaphore(%run_scoped3A : memref<!tpu.dma_semaphore, #tpu.memory_space<semaphore_mem>>)
      %dma_wait3A = arith.constant 0 : i32
      %dma_wait3A_93 = tpu.memref_slice %arg19[%add3A_36, %dma_wait3A] : memref<10240x128xf32, #tpu.memory_space<vmem_shared>> -> memref<40x128xf32, #tpu.memory_space<vmem_shared>>
      %dma_wait3A_94 = arith.constant 0 : i32
      %dma_wait3A_95 = tpu.memref_slice %arg19[%add3A_36, %dma_wait3A_94] : memref<10240x128xf32, #tpu.memory_space<vmem_shared>> -> memref<40x128xf32, #tpu.memory_space<vmem_shared>>
      tpu.wait_dma2 semaphore(%run_scoped3A : memref<!tpu.dma_semaphore, #tpu.memory_space<semaphore_mem>>) src(%arg18 : memref<40x128xf32, #tpu.memory_space<vmem>>) dst(%dma_wait3A_95 : memref<40x128xf32, #tpu.memory_space<vmem_shared>>)
      tpu.yield
    }) : () -> ()
    %mul3A_37 = arith.constant 640 : i32
    %mul3A_38 = arith.muli %arg1, %mul3A_37 : i32
    %add3A_39 = arith.constant 280 : i32
    %add3A_40 = arith.addi %mul3A_38, %add3A_39 : i32
    "tpu.region"() ({
      %run_scoped3A = tpu.sem_alloc : memref<!tpu.dma_semaphore, #tpu.memory_space<semaphore_mem>>
      %dma_start3A = arith.constant 0 : i32
      %dma_start3A_90 = tpu.memref_slice %arg19[%add3A_40, %dma_start3A] : memref<10240x128xf32, #tpu.memory_space<vmem_shared>> -> memref<40x128xf32, #tpu.memory_space<vmem_shared>>
      %dma_start3A_91 = arith.constant 0 : i32
      %dma_start3A_92 = tpu.memref_slice %arg19[%add3A_40, %dma_start3A_91] : memref<10240x128xf32, #tpu.memory_space<vmem_shared>> -> memref<40x128xf32, #tpu.memory_space<vmem_shared>>
      tpu.enqueue_dma source(%arg18 : memref<40x128xf32, #tpu.memory_space<vmem>>) target(%dma_start3A_92 : memref<40x128xf32, #tpu.memory_space<vmem_shared>>) target_semaphore(%run_scoped3A : memref<!tpu.dma_semaphore, #tpu.memory_space<semaphore_mem>>)
      %dma_wait3A = arith.constant 0 : i32
      %dma_wait3A_93 = tpu.memref_slice %arg19[%add3A_40, %dma_wait3A] : memref<10240x128xf32, #tpu.memory_space<vmem_shared>> -> memref<40x128xf32, #tpu.memory_space<vmem_shared>>
      %dma_wait3A_94 = arith.constant 0 : i32
      %dma_wait3A_95 = tpu.memref_slice %arg19[%add3A_40, %dma_wait3A_94] : memref<10240x128xf32, #tpu.memory_space<vmem_shared>> -> memref<40x128xf32, #tpu.memory_space<vmem_shared>>
      tpu.wait_dma2 semaphore(%run_scoped3A : memref<!tpu.dma_semaphore, #tpu.memory_space<semaphore_mem>>) src(%arg18 : memref<40x128xf32, #tpu.memory_space<vmem>>) dst(%dma_wait3A_95 : memref<40x128xf32, #tpu.memory_space<vmem_shared>>)
      tpu.yield
    }) : () -> ()
    %mul3A_41 = arith.constant 640 : i32
    %mul3A_42 = arith.muli %arg1, %mul3A_41 : i32
    %add3A_43 = arith.constant 320 : i32
    %add3A_44 = arith.addi %mul3A_42, %add3A_43 : i32
    "tpu.region"() ({
      %run_scoped3A = tpu.sem_alloc : memref<!tpu.dma_semaphore, #tpu.memory_space<semaphore_mem>>
      %dma_start3A = arith.constant 0 : i32
      %dma_start3A_90 = tpu.memref_slice %arg19[%add3A_44, %dma_start3A] : memref<10240x128xf32, #tpu.memory_space<vmem_shared>> -> memref<40x128xf32, #tpu.memory_space<vmem_shared>>
      %dma_start3A_91 = arith.constant 0 : i32
      %dma_start3A_92 = tpu.memref_slice %arg19[%add3A_44, %dma_start3A_91] : memref<10240x128xf32, #tpu.memory_space<vmem_shared>> -> memref<40x128xf32, #tpu.memory_space<vmem_shared>>
      tpu.enqueue_dma source(%arg18 : memref<40x128xf32, #tpu.memory_space<vmem>>) target(%dma_start3A_92 : memref<40x128xf32, #tpu.memory_space<vmem_shared>>) target_semaphore(%run_scoped3A : memref<!tpu.dma_semaphore, #tpu.memory_space<semaphore_mem>>)
      %dma_wait3A = arith.constant 0 : i32
      %dma_wait3A_93 = tpu.memref_slice %arg19[%add3A_44, %dma_wait3A] : memref<10240x128xf32, #tpu.memory_space<vmem_shared>> -> memref<40x128xf32, #tpu.memory_space<vmem_shared>>
      %dma_wait3A_94 = arith.constant 0 : i32
      %dma_wait3A_95 = tpu.memref_slice %arg19[%add3A_44, %dma_wait3A_94] : memref<10240x128xf32, #tpu.memory_space<vmem_shared>> -> memref<40x128xf32, #tpu.memory_space<vmem_shared>>
      tpu.wait_dma2 semaphore(%run_scoped3A : memref<!tpu.dma_semaphore, #tpu.memory_space<semaphore_mem>>) src(%arg18 : memref<40x128xf32, #tpu.memory_space<vmem>>) dst(%dma_wait3A_95 : memref<40x128xf32, #tpu.memory_space<vmem_shared>>)
      tpu.yield
    }) : () -> ()
    %mul3A_45 = arith.constant 640 : i32
    %mul3A_46 = arith.muli %arg1, %mul3A_45 : i32
    %add3A_47 = arith.constant 360 : i32
    %add3A_48 = arith.addi %mul3A_46, %add3A_47 : i32
    "tpu.region"() ({
      %run_scoped3A = tpu.sem_alloc : memref<!tpu.dma_semaphore, #tpu.memory_space<semaphore_mem>>
      %dma_start3A = arith.constant 0 : i32
      %dma_start3A_90 = tpu.memref_slice %arg19[%add3A_48, %dma_start3A] : memref<10240x128xf32, #tpu.memory_space<vmem_shared>> -> memref<40x128xf32, #tpu.memory_space<vmem_shared>>
      %dma_start3A_91 = arith.constant 0 : i32
      %dma_start3A_92 = tpu.memref_slice %arg19[%add3A_48, %dma_start3A_91] : memref<10240x128xf32, #tpu.memory_space<vmem_shared>> -> memref<40x128xf32, #tpu.memory_space<vmem_shared>>
      tpu.enqueue_dma source(%arg18 : memref<40x128xf32, #tpu.memory_space<vmem>>) target(%dma_start3A_92 : memref<40x128xf32, #tpu.memory_space<vmem_shared>>) target_semaphore(%run_scoped3A : memref<!tpu.dma_semaphore, #tpu.memory_space<semaphore_mem>>)
      %dma_wait3A = arith.constant 0 : i32
      %dma_wait3A_93 = tpu.memref_slice %arg19[%add3A_48, %dma_wait3A] : memref<10240x128xf32, #tpu.memory_space<vmem_shared>> -> memref<40x128xf32, #tpu.memory_space<vmem_shared>>
      %dma_wait3A_94 = arith.constant 0 : i32
      %dma_wait3A_95 = tpu.memref_slice %arg19[%add3A_48, %dma_wait3A_94] : memref<10240x128xf32, #tpu.memory_space<vmem_shared>> -> memref<40x128xf32, #tpu.memory_space<vmem_shared>>
      tpu.wait_dma2 semaphore(%run_scoped3A : memref<!tpu.dma_semaphore, #tpu.memory_space<semaphore_mem>>) src(%arg18 : memref<40x128xf32, #tpu.memory_space<vmem>>) dst(%dma_wait3A_95 : memref<40x128xf32, #tpu.memory_space<vmem_shared>>)
      tpu.yield
    }) : () -> ()
    %mul3A_49 = arith.constant 640 : i32
    %mul3A_50 = arith.muli %arg1, %mul3A_49 : i32
    %add3A_51 = arith.constant 400 : i32
    %add3A_52 = arith.addi %mul3A_50, %add3A_51 : i32
    "tpu.region"() ({
      %run_scoped3A = tpu.sem_alloc : memref<!tpu.dma_semaphore, #tpu.memory_space<semaphore_mem>>
      %dma_start3A = arith.constant 0 : i32
      %dma_start3A_90 = tpu.memref_slice %arg19[%add3A_52, %dma_start3A] : memref<10240x128xf32, #tpu.memory_space<vmem_shared>> -> memref<40x128xf32, #tpu.memory_space<vmem_shared>>
      %dma_start3A_91 = arith.constant 0 : i32
      %dma_start3A_92 = tpu.memref_slice %arg19[%add3A_52, %dma_start3A_91] : memref<10240x128xf32, #tpu.memory_space<vmem_shared>> -> memref<40x128xf32, #tpu.memory_space<vmem_shared>>
      tpu.enqueue_dma source(%arg18 : memref<40x128xf32, #tpu.memory_space<vmem>>) target(%dma_start3A_92 : memref<40x128xf32, #tpu.memory_space<vmem_shared>>) target_semaphore(%run_scoped3A : memref<!tpu.dma_semaphore, #tpu.memory_space<semaphore_mem>>)
      %dma_wait3A = arith.constant 0 : i32
      %dma_wait3A_93 = tpu.memref_slice %arg19[%add3A_52, %dma_wait3A] : memref<10240x128xf32, #tpu.memory_space<vmem_shared>> -> memref<40x128xf32, #tpu.memory_space<vmem_shared>>
      %dma_wait3A_94 = arith.constant 0 : i32
      %dma_wait3A_95 = tpu.memref_slice %arg19[%add3A_52, %dma_wait3A_94] : memref<10240x128xf32, #tpu.memory_space<vmem_shared>> -> memref<40x128xf32, #tpu.memory_space<vmem_shared>>
      tpu.wait_dma2 semaphore(%run_scoped3A : memref<!tpu.dma_semaphore, #tpu.memory_space<semaphore_mem>>) src(%arg18 : memref<40x128xf32, #tpu.memory_space<vmem>>) dst(%dma_wait3A_95 : memref<40x128xf32, #tpu.memory_space<vmem_shared>>)
      tpu.yield
    }) : () -> ()
    %mul3A_53 = arith.constant 640 : i32
    %mul3A_54 = arith.muli %arg1, %mul3A_53 : i32
    %add3A_55 = arith.constant 440 : i32
    %add3A_56 = arith.addi %mul3A_54, %add3A_55 : i32
    "tpu.region"() ({
      %run_scoped3A = tpu.sem_alloc : memref<!tpu.dma_semaphore, #tpu.memory_space<semaphore_mem>>
      %dma_start3A = arith.constant 0 : i32
      %dma_start3A_90 = tpu.memref_slice %arg19[%add3A_56, %dma_start3A] : memref<10240x128xf32, #tpu.memory_space<vmem_shared>> -> memref<40x128xf32, #tpu.memory_space<vmem_shared>>
      %dma_start3A_91 = arith.constant 0 : i32
      %dma_start3A_92 = tpu.memref_slice %arg19[%add3A_56, %dma_start3A_91] : memref<10240x128xf32, #tpu.memory_space<vmem_shared>> -> memref<40x128xf32, #tpu.memory_space<vmem_shared>>
      tpu.enqueue_dma source(%arg18 : memref<40x128xf32, #tpu.memory_space<vmem>>) target(%dma_start3A_92 : memref<40x128xf32, #tpu.memory_space<vmem_shared>>) target_semaphore(%run_scoped3A : memref<!tpu.dma_semaphore, #tpu.memory_space<semaphore_mem>>)
      %dma_wait3A = arith.constant 0 : i32
      %dma_wait3A_93 = tpu.memref_slice %arg19[%add3A_56, %dma_wait3A] : memref<10240x128xf32, #tpu.memory_space<vmem_shared>> -> memref<40x128xf32, #tpu.memory_space<vmem_shared>>
      %dma_wait3A_94 = arith.constant 0 : i32
      %dma_wait3A_95 = tpu.memref_slice %arg19[%add3A_56, %dma_wait3A_94] : memref<10240x128xf32, #tpu.memory_space<vmem_shared>> -> memref<40x128xf32, #tpu.memory_space<vmem_shared>>
      tpu.wait_dma2 semaphore(%run_scoped3A : memref<!tpu.dma_semaphore, #tpu.memory_space<semaphore_mem>>) src(%arg18 : memref<40x128xf32, #tpu.memory_space<vmem>>) dst(%dma_wait3A_95 : memref<40x128xf32, #tpu.memory_space<vmem_shared>>)
      tpu.yield
    }) : () -> ()
    %mul3A_57 = arith.constant 640 : i32
    %mul3A_58 = arith.muli %arg1, %mul3A_57 : i32
    %add3A_59 = arith.constant 480 : i32
    %add3A_60 = arith.addi %mul3A_58, %add3A_59 : i32
    "tpu.region"() ({
      %run_scoped3A = tpu.sem_alloc : memref<!tpu.dma_semaphore, #tpu.memory_space<semaphore_mem>>
      %dma_start3A = arith.constant 0 : i32
      %dma_start3A_90 = tpu.memref_slice %arg19[%add3A_60, %dma_start3A] : memref<10240x128xf32, #tpu.memory_space<vmem_shared>> -> memref<40x128xf32, #tpu.memory_space<vmem_shared>>
      %dma_start3A_91 = arith.constant 0 : i32
      %dma_start3A_92 = tpu.memref_slice %arg19[%add3A_60, %dma_start3A_91] : memref<10240x128xf32, #tpu.memory_space<vmem_shared>> -> memref<40x128xf32, #tpu.memory_space<vmem_shared>>
      tpu.enqueue_dma source(%arg18 : memref<40x128xf32, #tpu.memory_space<vmem>>) target(%dma_start3A_92 : memref<40x128xf32, #tpu.memory_space<vmem_shared>>) target_semaphore(%run_scoped3A : memref<!tpu.dma_semaphore, #tpu.memory_space<semaphore_mem>>)
      %dma_wait3A = arith.constant 0 : i32
      %dma_wait3A_93 = tpu.memref_slice %arg19[%add3A_60, %dma_wait3A] : memref<10240x128xf32, #tpu.memory_space<vmem_shared>> -> memref<40x128xf32, #tpu.memory_space<vmem_shared>>
      %dma_wait3A_94 = arith.constant 0 : i32
      %dma_wait3A_95 = tpu.memref_slice %arg19[%add3A_60, %dma_wait3A_94] : memref<10240x128xf32, #tpu.memory_space<vmem_shared>> -> memref<40x128xf32, #tpu.memory_space<vmem_shared>>
      tpu.wait_dma2 semaphore(%run_scoped3A : memref<!tpu.dma_semaphore, #tpu.memory_space<semaphore_mem>>) src(%arg18 : memref<40x128xf32, #tpu.memory_space<vmem>>) dst(%dma_wait3A_95 : memref<40x128xf32, #tpu.memory_space<vmem_shared>>)
      tpu.yield
    }) : () -> ()
    %mul3A_61 = arith.constant 640 : i32
    %mul3A_62 = arith.muli %arg1, %mul3A_61 : i32
    %add3A_63 = arith.constant 520 : i32
    %add3A_64 = arith.addi %mul3A_62, %add3A_63 : i32
    "tpu.region"() ({
      %run_scoped3A = tpu.sem_alloc : memref<!tpu.dma_semaphore, #tpu.memory_space<semaphore_mem>>
      %dma_start3A = arith.constant 0 : i32
      %dma_start3A_90 = tpu.memref_slice %arg19[%add3A_64, %dma_start3A] : memref<10240x128xf32, #tpu.memory_space<vmem_shared>> -> memref<40x128xf32, #tpu.memory_space<vmem_shared>>
      %dma_start3A_91 = arith.constant 0 : i32
      %dma_start3A_92 = tpu.memref_slice %arg19[%add3A_64, %dma_start3A_91] : memref<10240x128xf32, #tpu.memory_space<vmem_shared>> -> memref<40x128xf32, #tpu.memory_space<vmem_shared>>
      tpu.enqueue_dma source(%arg18 : memref<40x128xf32, #tpu.memory_space<vmem>>) target(%dma_start3A_92 : memref<40x128xf32, #tpu.memory_space<vmem_shared>>) target_semaphore(%run_scoped3A : memref<!tpu.dma_semaphore, #tpu.memory_space<semaphore_mem>>)
      %dma_wait3A = arith.constant 0 : i32
      %dma_wait3A_93 = tpu.memref_slice %arg19[%add3A_64, %dma_wait3A] : memref<10240x128xf32, #tpu.memory_space<vmem_shared>> -> memref<40x128xf32, #tpu.memory_space<vmem_shared>>
      %dma_wait3A_94 = arith.constant 0 : i32
      %dma_wait3A_95 = tpu.memref_slice %arg19[%add3A_64, %dma_wait3A_94] : memref<10240x128xf32, #tpu.memory_space<vmem_shared>> -> memref<40x128xf32, #tpu.memory_space<vmem_shared>>
      tpu.wait_dma2 semaphore(%run_scoped3A : memref<!tpu.dma_semaphore, #tpu.memory_space<semaphore_mem>>) src(%arg18 : memref<40x128xf32, #tpu.memory_space<vmem>>) dst(%dma_wait3A_95 : memref<40x128xf32, #tpu.memory_space<vmem_shared>>)
      tpu.yield
    }) : () -> ()
    %mul3A_65 = arith.constant 640 : i32
    %mul3A_66 = arith.muli %arg1, %mul3A_65 : i32
    %add3A_67 = arith.constant 560 : i32
    %add3A_68 = arith.addi %mul3A_66, %add3A_67 : i32
    "tpu.region"() ({
      %run_scoped3A = tpu.sem_alloc : memref<!tpu.dma_semaphore, #tpu.memory_space<semaphore_mem>>
      %dma_start3A = arith.constant 0 : i32
      %dma_start3A_90 = tpu.memref_slice %arg19[%add3A_68, %dma_start3A] : memref<10240x128xf32, #tpu.memory_space<vmem_shared>> -> memref<40x128xf32, #tpu.memory_space<vmem_shared>>
      %dma_start3A_91 = arith.constant 0 : i32
      %dma_start3A_92 = tpu.memref_slice %arg19[%add3A_68, %dma_start3A_91] : memref<10240x128xf32, #tpu.memory_space<vmem_shared>> -> memref<40x128xf32, #tpu.memory_space<vmem_shared>>
      tpu.enqueue_dma source(%arg18 : memref<40x128xf32, #tpu.memory_space<vmem>>) target(%dma_start3A_92 : memref<40x128xf32, #tpu.memory_space<vmem_shared>>) target_semaphore(%run_scoped3A : memref<!tpu.dma_semaphore, #tpu.memory_space<semaphore_mem>>)
      %dma_wait3A = arith.constant 0 : i32
      %dma_wait3A_93 = tpu.memref_slice %arg19[%add3A_68, %dma_wait3A] : memref<10240x128xf32, #tpu.memory_space<vmem_shared>> -> memref<40x128xf32, #tpu.memory_space<vmem_shared>>
      %dma_wait3A_94 = arith.constant 0 : i32
      %dma_wait3A_95 = tpu.memref_slice %arg19[%add3A_68, %dma_wait3A_94] : memref<10240x128xf32, #tpu.memory_space<vmem_shared>> -> memref<40x128xf32, #tpu.memory_space<vmem_shared>>
      tpu.wait_dma2 semaphore(%run_scoped3A : memref<!tpu.dma_semaphore, #tpu.memory_space<semaphore_mem>>) src(%arg18 : memref<40x128xf32, #tpu.memory_space<vmem>>) dst(%dma_wait3A_95 : memref<40x128xf32, #tpu.memory_space<vmem_shared>>)
      tpu.yield
    }) : () -> ()
    %mul3A_69 = arith.constant 640 : i32
    %mul3A_70 = arith.muli %arg1, %mul3A_69 : i32
    %add3A_71 = arith.constant 600 : i32
    %add3A_72 = arith.addi %mul3A_70, %add3A_71 : i32
    "tpu.region"() ({
      %run_scoped3A = tpu.sem_alloc : memref<!tpu.dma_semaphore, #tpu.memory_space<semaphore_mem>>
      %dma_start3A = arith.constant 0 : i32
      %dma_start3A_90 = tpu.memref_slice %arg19[%add3A_72, %dma_start3A] : memref<10240x128xf32, #tpu.memory_space<vmem_shared>> -> memref<40x128xf32, #tpu.memory_space<vmem_shared>>
      %dma_start3A_91 = arith.constant 0 : i32
      %dma_start3A_92 = tpu.memref_slice %arg19[%add3A_72, %dma_start3A_91] : memref<10240x128xf32, #tpu.memory_space<vmem_shared>> -> memref<40x128xf32, #tpu.memory_space<vmem_shared>>
      tpu.enqueue_dma source(%arg18 : memref<40x128xf32, #tpu.memory_space<vmem>>) target(%dma_start3A_92 : memref<40x128xf32, #tpu.memory_space<vmem_shared>>) target_semaphore(%run_scoped3A : memref<!tpu.dma_semaphore, #tpu.memory_space<semaphore_mem>>)
      %dma_wait3A = arith.constant 0 : i32
      %dma_wait3A_93 = tpu.memref_slice %arg19[%add3A_72, %dma_wait3A] : memref<10240x128xf32, #tpu.memory_space<vmem_shared>> -> memref<40x128xf32, #tpu.memory_space<vmem_shared>>
      %dma_wait3A_94 = arith.constant 0 : i32
      %dma_wait3A_95 = tpu.memref_slice %arg19[%add3A_72, %dma_wait3A_94] : memref<10240x128xf32, #tpu.memory_space<vmem_shared>> -> memref<40x128xf32, #tpu.memory_space<vmem_shared>>
      tpu.wait_dma2 semaphore(%run_scoped3A : memref<!tpu.dma_semaphore, #tpu.memory_space<semaphore_mem>>) src(%arg18 : memref<40x128xf32, #tpu.memory_space<vmem>>) dst(%dma_wait3A_95 : memref<40x128xf32, #tpu.memory_space<vmem_shared>>)
      tpu.yield
    }) : () -> ()
    %barrier3A = arith.constant 0 : index
    tpu.barrier barrier_id(%barrier3A)
    %scan3A_73 = arith.constant 0 : i32
    %scan3A_74 = arith.constant 0 : i32
    %scan3A_75 = arith.constant 16 : i32
    %scan3A_76 = arith.addi %scan3A_74, %scan3A_75 : i32
    %scan3A_77 = arith.constant 1 : i32
    %scan3A_78 = scf.for %scan3A_90 = %scan3A_74 to %scan3A_76 step %scan3A_77 iter_args(%scan3A_91 = %scan3A_73) -> (i32)  : i32 {
      %mul3A_92 = arith.constant 8 : i32
      %mul3A_93 = arith.muli %scan3A_90, %mul3A_92 : i32
      %add3A_94 = arith.addi %mul3A_2, %mul3A_93 : i32
      "tpu.region"() ({
        %run_scoped3A = tpu.sem_alloc : memref<!tpu.dma_semaphore, #tpu.memory_space<semaphore_mem>>
        %dma_start3A_120 = arith.constant 0 : i32
        %dma_start3A_121 = tpu.memref_slice %arg5[%add3A_94, %dma_start3A_120] : memref<4096x40xi32, #tpu.memory_space<hbm>> -> memref<8x40xi32, #tpu.memory_space<hbm>>
        %dma_start3A_122 = arith.constant 0 : i32
        %dma_start3A_123 = tpu.memref_slice %arg5[%add3A_94, %dma_start3A_122] : memref<4096x40xi32, #tpu.memory_space<hbm>> -> memref<8x40xi32, #tpu.memory_space<hbm>>
        tpu.enqueue_dma source(%dma_start3A_123 : memref<8x40xi32, #tpu.memory_space<hbm>>) target(%arg9 : memref<8x40xi32, #tpu.memory_space<vmem>>) target_semaphore(%run_scoped3A : memref<!tpu.dma_semaphore, #tpu.memory_space<semaphore_mem>>)
        %dma_wait3A = arith.constant 0 : i32
        %dma_wait3A_124 = tpu.memref_slice %arg5[%add3A_94, %dma_wait3A] : memref<4096x40xi32, #tpu.memory_space<hbm>> -> memref<8x40xi32, #tpu.memory_space<hbm>>
        %dma_wait3A_125 = arith.constant 0 : i32
        %dma_wait3A_126 = tpu.memref_slice %arg5[%add3A_94, %dma_wait3A_125] : memref<4096x40xi32, #tpu.memory_space<hbm>> -> memref<8x40xi32, #tpu.memory_space<hbm>>
        tpu.wait_dma2 semaphore(%run_scoped3A : memref<!tpu.dma_semaphore, #tpu.memory_space<semaphore_mem>>) src(%dma_wait3A_126 : memref<8x40xi32, #tpu.memory_space<hbm>>) dst(%arg9 : memref<8x40xi32, #tpu.memory_space<vmem>>)
        tpu.yield
      }) : () -> ()
      "tpu.region"() ({
        %run_scoped3A = tpu.sem_alloc : memref<!tpu.dma_semaphore, #tpu.memory_space<semaphore_mem>>
        %dma_start3A_120 = arith.constant 0 : i32
        %dma_start3A_121 = tpu.memref_slice %arg6[%add3A_94, %dma_start3A_120] : memref<4096x40xi32, #tpu.memory_space<hbm>> -> memref<8x40xi32, #tpu.memory_space<hbm>>
        %dma_start3A_122 = arith.constant 0 : i32
        %dma_start3A_123 = tpu.memref_slice %arg6[%add3A_94, %dma_start3A_122] : memref<4096x40xi32, #tpu.memory_space<hbm>> -> memref<8x40xi32, #tpu.memory_space<hbm>>
        tpu.enqueue_dma source(%dma_start3A_123 : memref<8x40xi32, #tpu.memory_space<hbm>>) target(%arg10 : memref<8x40xi32, #tpu.memory_space<vmem>>) target_semaphore(%run_scoped3A : memref<!tpu.dma_semaphore, #tpu.memory_space<semaphore_mem>>)
        %dma_wait3A = arith.constant 0 : i32
        %dma_wait3A_124 = tpu.memref_slice %arg6[%add3A_94, %dma_wait3A] : memref<4096x40xi32, #tpu.memory_space<hbm>> -> memref<8x40xi32, #tpu.memory_space<hbm>>
        %dma_wait3A_125 = arith.constant 0 : i32
        %dma_wait3A_126 = tpu.memref_slice %arg6[%add3A_94, %dma_wait3A_125] : memref<4096x40xi32, #tpu.memory_space<hbm>> -> memref<8x40xi32, #tpu.memory_space<hbm>>
        tpu.wait_dma2 semaphore(%run_scoped3A : memref<!tpu.dma_semaphore, #tpu.memory_space<semaphore_mem>>) src(%dma_wait3A_126 : memref<8x40xi32, #tpu.memory_space<hbm>>) dst(%arg10 : memref<8x40xi32, #tpu.memory_space<vmem>>)
        tpu.yield
      }) : () -> ()
      "tpu.region"() ({
        %run_scoped3A = tpu.sem_alloc : memref<!tpu.dma_semaphore, #tpu.memory_space<semaphore_mem>>
        %dma_start3A_120 = arith.constant 0 : i32
        %dma_start3A_121 = tpu.memref_slice %arg7[%add3A_94, %dma_start3A_120] : memref<4096x40xi32, #tpu.memory_space<hbm>> -> memref<8x40xi32, #tpu.memory_space<hbm>>
        %dma_start3A_122 = arith.constant 0 : i32
        %dma_start3A_123 = tpu.memref_slice %arg7[%add3A_94, %dma_start3A_122] : memref<4096x40xi32, #tpu.memory_space<hbm>> -> memref<8x40xi32, #tpu.memory_space<hbm>>
        tpu.enqueue_dma source(%dma_start3A_123 : memref<8x40xi32, #tpu.memory_space<hbm>>) target(%arg11 : memref<8x40xi32, #tpu.memory_space<vmem>>) target_semaphore(%run_scoped3A : memref<!tpu.dma_semaphore, #tpu.memory_space<semaphore_mem>>)
        %dma_wait3A = arith.constant 0 : i32
        %dma_wait3A_124 = tpu.memref_slice %arg7[%add3A_94, %dma_wait3A] : memref<4096x40xi32, #tpu.memory_space<hbm>> -> memref<8x40xi32, #tpu.memory_space<hbm>>
        %dma_wait3A_125 = arith.constant 0 : i32
        %dma_wait3A_126 = tpu.memref_slice %arg7[%add3A_94, %dma_wait3A_125] : memref<4096x40xi32, #tpu.memory_space<hbm>> -> memref<8x40xi32, #tpu.memory_space<hbm>>
        tpu.wait_dma2 semaphore(%run_scoped3A : memref<!tpu.dma_semaphore, #tpu.memory_space<semaphore_mem>>) src(%dma_wait3A_126 : memref<8x40xi32, #tpu.memory_space<hbm>>) dst(%arg11 : memref<8x40xi32, #tpu.memory_space<vmem>>)
        tpu.yield
      }) : () -> ()
      %dma_start3A = arith.constant 0 : i32
      %dma_start3A_95 = arith.constant 0 : i32
      %dma_start3A_96 = tpu.memref_slice %arg9[%dma_start3A, %dma_start3A_95] : memref<8x40xi32, #tpu.memory_space<vmem>> -> memref<1x40xi32, #tpu.memory_space<vmem>>
      %dma_start3A_97 = tpu.memref_squeeze %dma_start3A_96 : memref<1x40xi32, #tpu.memory_space<vmem>> -> memref<40xi32, #tpu.memory_space<vmem>>
      %dma_start3A_98 = arith.constant 0 : i32
      %dma_start3A_99 = arith.constant 0 : i32
      %dma_start3A_100 = tpu.memref_slice %arg2[%dma_start3A_98, %dma_start3A_99] : memref<10000x128xf32, #tpu.memory_space<hbm>> -> memref<10000x128xf32, #tpu.memory_space<hbm>>
      tpu.enqueue_indirect_dma source(%dma_start3A_100 : memref<10000x128xf32, #tpu.memory_space<hbm>>) target(%arg12 : memref<40x128xf32, #tpu.memory_space<vmem>>) offsets(%dma_start3A_97 : memref<40xi32, #tpu.memory_space<vmem>>) semaphore(%arg20 : memref<!tpu.dma_semaphore, #tpu.memory_space<semaphore_mem>>)
      %dma_start3A_101 = arith.constant 0 : i32
      %dma_start3A_102 = arith.constant 0 : i32
      %dma_start3A_103 = tpu.memref_slice %arg10[%dma_start3A_101, %dma_start3A_102] : memref<8x40xi32, #tpu.memory_space<vmem>> -> memref<1x40xi32, #tpu.memory_space<vmem>>
      %dma_start3A_104 = tpu.memref_squeeze %dma_start3A_103 : memref<1x40xi32, #tpu.memory_space<vmem>> -> memref<40xi32, #tpu.memory_space<vmem>>
      %dma_start3A_105 = arith.constant 0 : i32
      %dma_start3A_106 = arith.constant 0 : i32
      %dma_start3A_107 = tpu.memref_slice %arg3[%dma_start3A_105, %dma_start3A_106] : memref<10000x128xf32, #tpu.memory_space<hbm>> -> memref<10000x128xf32, #tpu.memory_space<hbm>>
      tpu.enqueue_indirect_dma source(%dma_start3A_107 : memref<10000x128xf32, #tpu.memory_space<hbm>>) target(%arg14 : memref<40x128xf32, #tpu.memory_space<vmem>>) offsets(%dma_start3A_104 : memref<40xi32, #tpu.memory_space<vmem>>) semaphore(%arg22 : memref<!tpu.dma_semaphore, #tpu.memory_space<semaphore_mem>>)
      %lt3A = arith.constant 4000 : i32
      %lt3A_108 = arith.cmpi slt, %add3A_94, %lt3A : i32
      %convert_element_type3A_109 = arith.extui %lt3A_108 : i1 to i32
      %cond3A_110 = arith.constant 0 : i32
      %cond3A_111 = arith.cmpi ne, %convert_element_type3A_109, %cond3A_110 : i32
      scf.if %cond3A_111 {
        %mul3A_120 = arith.constant 40 : i32
        %mul3A_121 = arith.muli %add3A_94, %mul3A_120 : i32
        %dma_start3A_122 = arith.constant 0 : i32
        %dma_start3A_123 = tpu.memref_slice %arg4[%mul3A_121, %dma_start3A_122] : memref<160000x128xf32, #tpu.memory_space<hbm>> -> memref<40x128xf32, #tpu.memory_space<hbm>>
        %dma_start3A_124 = arith.constant 0 : i32
        %dma_start3A_125 = tpu.memref_slice %arg4[%mul3A_121, %dma_start3A_124] : memref<160000x128xf32, #tpu.memory_space<hbm>> -> memref<40x128xf32, #tpu.memory_space<hbm>>
        tpu.enqueue_dma source(%dma_start3A_125 : memref<40x128xf32, #tpu.memory_space<hbm>>) target(%arg16 : memref<40x128xf32, #tpu.memory_space<vmem>>) target_semaphore(%arg24 : memref<!tpu.dma_semaphore, #tpu.memory_space<semaphore_mem>>)
      } else {
      }
      %scan3A_112 = arith.constant 0 : i32
      %scan3A_113 = arith.constant 0 : i32
      %scan3A_114 = arith.constant 4 : i32
      %scan3A_115 = arith.addi %scan3A_113, %scan3A_114 : i32
      %scan3A_116 = arith.constant 1 : i32
      %scan3A_117 = scf.for %scan3A_120 = %scan3A_113 to %scan3A_115 step %scan3A_116 iter_args(%scan3A_121 = %scan3A_112) -> (i32)  : i32 {
        %mul3A_122 = arith.constant 2 : i32
        %mul3A_123 = arith.muli %mul3A_122, %scan3A_120 : i32
        %add3A_124 = arith.addi %add3A_94, %mul3A_123 : i32
        %add3A_125 = arith.constant 1 : i32
        %add3A_126 = arith.addi %mul3A_123, %add3A_125 : i32
        %add3A_127 = arith.constant 1 : i32
        %add3A_128 = arith.addi %add3A_124, %add3A_127 : i32
        %dma_start3A_129 = arith.constant 0 : i32
        %dma_start3A_130 = tpu.memref_slice %arg9[%add3A_126, %dma_start3A_129] : memref<8x40xi32, #tpu.memory_space<vmem>> -> memref<1x40xi32, #tpu.memory_space<vmem>>
        %dma_start3A_131 = tpu.memref_squeeze %dma_start3A_130 : memref<1x40xi32, #tpu.memory_space<vmem>> -> memref<40xi32, #tpu.memory_space<vmem>>
        %dma_start3A_132 = arith.constant 0 : i32
        %dma_start3A_133 = arith.constant 0 : i32
        %dma_start3A_134 = tpu.memref_slice %arg2[%dma_start3A_132, %dma_start3A_133] : memref<10000x128xf32, #tpu.memory_space<hbm>> -> memref<10000x128xf32, #tpu.memory_space<hbm>>
        tpu.enqueue_indirect_dma source(%dma_start3A_134 : memref<10000x128xf32, #tpu.memory_space<hbm>>) target(%arg13 : memref<40x128xf32, #tpu.memory_space<vmem>>) offsets(%dma_start3A_131 : memref<40xi32, #tpu.memory_space<vmem>>) semaphore(%arg21 : memref<!tpu.dma_semaphore, #tpu.memory_space<semaphore_mem>>)
        %dma_start3A_135 = arith.constant 0 : i32
        %dma_start3A_136 = tpu.memref_slice %arg10[%add3A_126, %dma_start3A_135] : memref<8x40xi32, #tpu.memory_space<vmem>> -> memref<1x40xi32, #tpu.memory_space<vmem>>
        %dma_start3A_137 = tpu.memref_squeeze %dma_start3A_136 : memref<1x40xi32, #tpu.memory_space<vmem>> -> memref<40xi32, #tpu.memory_space<vmem>>
        %dma_start3A_138 = arith.constant 0 : i32
        %dma_start3A_139 = arith.constant 0 : i32
        %dma_start3A_140 = tpu.memref_slice %arg3[%dma_start3A_138, %dma_start3A_139] : memref<10000x128xf32, #tpu.memory_space<hbm>> -> memref<10000x128xf32, #tpu.memory_space<hbm>>
        tpu.enqueue_indirect_dma source(%dma_start3A_140 : memref<10000x128xf32, #tpu.memory_space<hbm>>) target(%arg15 : memref<40x128xf32, #tpu.memory_space<vmem>>) offsets(%dma_start3A_137 : memref<40xi32, #tpu.memory_space<vmem>>) semaphore(%arg23 : memref<!tpu.dma_semaphore, #tpu.memory_space<semaphore_mem>>)
        %lt3A_141 = arith.constant 4000 : i32
        %lt3A_142 = arith.cmpi slt, %add3A_128, %lt3A_141 : i32
        %convert_element_type3A_143 = arith.extui %lt3A_142 : i1 to i32
        %cond3A_144 = arith.constant 0 : i32
        %cond3A_145 = arith.cmpi ne, %convert_element_type3A_143, %cond3A_144 : i32
        scf.if %cond3A_145 {
          %mul3A_207 = arith.constant 40 : i32
          %mul3A_208 = arith.muli %add3A_128, %mul3A_207 : i32
          %dma_start3A_209 = arith.constant 0 : i32
          %dma_start3A_210 = tpu.memref_slice %arg4[%mul3A_208, %dma_start3A_209] : memref<160000x128xf32, #tpu.memory_space<hbm>> -> memref<40x128xf32, #tpu.memory_space<hbm>>
          %dma_start3A_211 = arith.constant 0 : i32
          %dma_start3A_212 = tpu.memref_slice %arg4[%mul3A_208, %dma_start3A_211] : memref<160000x128xf32, #tpu.memory_space<hbm>> -> memref<40x128xf32, #tpu.memory_space<hbm>>
          tpu.enqueue_dma source(%dma_start3A_212 : memref<40x128xf32, #tpu.memory_space<hbm>>) target(%arg17 : memref<40x128xf32, #tpu.memory_space<vmem>>) target_semaphore(%arg25 : memref<!tpu.dma_semaphore, #tpu.memory_space<semaphore_mem>>)
        } else {
        }
        %dma_wait3A = arith.constant 0 : i32
        %dma_wait3A_146 = tpu.memref_slice %arg9[%mul3A_123, %dma_wait3A] : memref<8x40xi32, #tpu.memory_space<vmem>> -> memref<1x40xi32, #tpu.memory_space<vmem>>
        %dma_wait3A_147 = tpu.memref_squeeze %dma_wait3A_146 : memref<1x40xi32, #tpu.memory_space<vmem>> -> memref<40xi32, #tpu.memory_space<vmem>>
        %dma_wait3A_148 = arith.constant 0 : i32
        %dma_wait3A_149 = arith.constant 0 : i32
        %dma_wait3A_150 = tpu.memref_slice %arg2[%dma_wait3A_148, %dma_wait3A_149] : memref<10000x128xf32, #tpu.memory_space<hbm>> -> memref<10000x128xf32, #tpu.memory_space<hbm>>
        tpu.wait_indirect_dma semaphore(%arg20 : memref<!tpu.dma_semaphore, #tpu.memory_space<semaphore_mem>>) src(%dma_wait3A_150 : memref<10000x128xf32, #tpu.memory_space<hbm>>) dst(%arg12 : memref<40x128xf32, #tpu.memory_space<vmem>>)
        %dma_wait3A_151 = arith.constant 0 : i32
        %dma_wait3A_152 = tpu.memref_slice %arg10[%mul3A_123, %dma_wait3A_151] : memref<8x40xi32, #tpu.memory_space<vmem>> -> memref<1x40xi32, #tpu.memory_space<vmem>>
        %dma_wait3A_153 = tpu.memref_squeeze %dma_wait3A_152 : memref<1x40xi32, #tpu.memory_space<vmem>> -> memref<40xi32, #tpu.memory_space<vmem>>
        %dma_wait3A_154 = arith.constant 0 : i32
        %dma_wait3A_155 = arith.constant 0 : i32
        %dma_wait3A_156 = tpu.memref_slice %arg3[%dma_wait3A_154, %dma_wait3A_155] : memref<10000x128xf32, #tpu.memory_space<hbm>> -> memref<10000x128xf32, #tpu.memory_space<hbm>>
        tpu.wait_indirect_dma semaphore(%arg22 : memref<!tpu.dma_semaphore, #tpu.memory_space<semaphore_mem>>) src(%dma_wait3A_156 : memref<10000x128xf32, #tpu.memory_space<hbm>>) dst(%arg14 : memref<40x128xf32, #tpu.memory_space<vmem>>)
        %lt3A_157 = arith.constant 4000 : i32
        %lt3A_158 = arith.cmpi slt, %add3A_124, %lt3A_157 : i32
        %convert_element_type3A_159 = arith.extui %lt3A_158 : i1 to i32
        %cond3A_160 = arith.constant 0 : i32
        %cond3A_161 = arith.cmpi ne, %convert_element_type3A_159, %cond3A_160 : i32
        scf.if %cond3A_161 {
          %mul3A_207 = arith.constant 40 : i32
          %mul3A_208 = arith.muli %add3A_124, %mul3A_207 : i32
          %dma_wait3A_209 = arith.constant 0 : i32
          %dma_wait3A_210 = tpu.memref_slice %arg4[%mul3A_208, %dma_wait3A_209] : memref<160000x128xf32, #tpu.memory_space<hbm>> -> memref<40x128xf32, #tpu.memory_space<hbm>>
          %dma_wait3A_211 = arith.constant 0 : i32
          %dma_wait3A_212 = tpu.memref_slice %arg4[%mul3A_208, %dma_wait3A_211] : memref<160000x128xf32, #tpu.memory_space<hbm>> -> memref<40x128xf32, #tpu.memory_space<hbm>>
          tpu.wait_dma2 semaphore(%arg24 : memref<!tpu.dma_semaphore, #tpu.memory_space<semaphore_mem>>) src(%dma_wait3A_212 : memref<40x128xf32, #tpu.memory_space<hbm>>) dst(%arg16 : memref<40x128xf32, #tpu.memory_space<vmem>>)
        } else {
        }
        %scan3A_162 = arith.constant 0 : i32
        %scan3A_163 = arith.constant 0 : i32
        %scan3A_164 = arith.constant 40 : i32
        %scan3A_165 = arith.addi %scan3A_163, %scan3A_164 : i32
        %scan3A_166 = arith.constant 1 : i32
        %scan3A_167 = scf.for %scan3A_207 = %scan3A_163 to %scan3A_165 step %scan3A_166 iter_args(%scan3A_208 = %scan3A_162) -> (i32)  : i32 {
          %get3A = arith.index_cast %scan3A_207 : i32 to index
          %get3A_209 = arith.constant 0 : index
          %get3A_210 = tpu.vector_load %arg12[%get3A, %get3A_209] {strides = array<i32>} : memref<40x128xf32, #tpu.memory_space<vmem>>, vector<1x16xf32>,
          %get3A_211 = vector.shape_cast %get3A_210 : vector<1x16xf32> to vector<16xf32>
          %get3A_212 = arith.index_cast %scan3A_207 : i32 to index
          %get3A_213 = arith.constant 0 : index
          %get3A_214 = tpu.vector_load %arg14[%get3A_212, %get3A_213] {strides = array<i32>} : memref<40x128xf32, #tpu.memory_space<vmem>>, vector<1x16xf32>,
          %get3A_215 = vector.shape_cast %get3A_214 : vector<1x16xf32> to vector<16xf32>
          %add3A_216 = arith.addf %get3A_211, %get3A_215 : vector<16xf32>
          %get3A_217 = arith.index_cast %scan3A_207 : i32 to index
          %get3A_218 = arith.constant 0 : index
          %get3A_219 = tpu.vector_load %arg16[%get3A_217, %get3A_218] {strides = array<i32>} : memref<40x128xf32, #tpu.memory_space<vmem>>, vector<1x16xf32>,
          %get3A_220 = vector.shape_cast %get3A_219 : vector<1x16xf32> to vector<16xf32>
          %add3A_221 = arith.addf %add3A_216, %get3A_220 : vector<16xf32>
          %max3A = arith.constant 0.000000e+00 : f32
          %max3A_222 = vector.broadcast %max3A : f32 to vector<16xf32>
          %max3A_223 = arith.maximumf %add3A_221, %max3A_222 : vector<16xf32>
          %swap3A = arith.index_cast %scan3A_207 : i32 to index
          %swap3A_224 = arith.constant 0 : index
          %swap3A_225 = tpu.vector_load %arg18[%swap3A, %swap3A_224] {strides = array<i32>} : memref<40x128xf32, #tpu.memory_space<vmem>>, vector<1x16xf32>,
          %swap3A_226 = vector.shape_cast %swap3A_225 : vector<1x16xf32> to vector<16xf32>
          %swap3A_227 = vector.shape_cast %max3A_223 : vector<16xf32> to vector<1x16xf32>
          tpu.vector_store %arg18[%swap3A, %swap3A_224], %swap3A_227 {strides = array<i32>} : memref<40x128xf32, #tpu.memory_space<vmem>>, vector<1x16xf32>,
          %get3A_228 = arith.index_cast %scan3A_207 : i32 to index
          %get3A_229 = arith.constant 16 : index
          %get3A_230 = tpu.vector_load %arg12[%get3A_228, %get3A_229] {strides = array<i32>} : memref<40x128xf32, #tpu.memory_space<vmem>>, vector<1x16xf32>,
          %get3A_231 = vector.shape_cast %get3A_230 : vector<1x16xf32> to vector<16xf32>
          %get3A_232 = arith.index_cast %scan3A_207 : i32 to index
          %get3A_233 = arith.constant 16 : index
          %get3A_234 = tpu.vector_load %arg14[%get3A_232, %get3A_233] {strides = array<i32>} : memref<40x128xf32, #tpu.memory_space<vmem>>, vector<1x16xf32>,
          %get3A_235 = vector.shape_cast %get3A_234 : vector<1x16xf32> to vector<16xf32>
          %add3A_236 = arith.addf %get3A_231, %get3A_235 : vector<16xf32>
          %get3A_237 = arith.index_cast %scan3A_207 : i32 to index
          %get3A_238 = arith.constant 16 : index
          %get3A_239 = tpu.vector_load %arg16[%get3A_237, %get3A_238] {strides = array<i32>} : memref<40x128xf32, #tpu.memory_space<vmem>>, vector<1x16xf32>,
          %get3A_240 = vector.shape_cast %get3A_239 : vector<1x16xf32> to vector<16xf32>
          %add3A_241 = arith.addf %add3A_236, %get3A_240 : vector<16xf32>
          %max3A_242 = arith.constant 0.000000e+00 : f32
          %max3A_243 = vector.broadcast %max3A_242 : f32 to vector<16xf32>
          %max3A_244 = arith.maximumf %add3A_241, %max3A_243 : vector<16xf32>
          %swap3A_245 = arith.index_cast %scan3A_207 : i32 to index
          %swap3A_246 = arith.constant 16 : index
          %swap3A_247 = tpu.vector_load %arg18[%swap3A_245, %swap3A_246] {strides = array<i32>} : memref<40x128xf32, #tpu.memory_space<vmem>>, vector<1x16xf32>,
          %swap3A_248 = vector.shape_cast %swap3A_247 : vector<1x16xf32> to vector<16xf32>
          %swap3A_249 = vector.shape_cast %max3A_244 : vector<16xf32> to vector<1x16xf32>
          tpu.vector_store %arg18[%swap3A_245, %swap3A_246], %swap3A_249 {strides = array<i32>} : memref<40x128xf32, #tpu.memory_space<vmem>>, vector<1x16xf32>,
          %get3A_250 = arith.index_cast %scan3A_207 : i32 to index
          %get3A_251 = arith.constant 32 : index
          %get3A_252 = tpu.vector_load %arg12[%get3A_250, %get3A_251] {strides = array<i32>} : memref<40x128xf32, #tpu.memory_space<vmem>>, vector<1x16xf32>,
          %get3A_253 = vector.shape_cast %get3A_252 : vector<1x16xf32> to vector<16xf32>
          %get3A_254 = arith.index_cast %scan3A_207 : i32 to index
          %get3A_255 = arith.constant 32 : index
          %get3A_256 = tpu.vector_load %arg14[%get3A_254, %get3A_255] {strides = array<i32>} : memref<40x128xf32, #tpu.memory_space<vmem>>, vector<1x16xf32>,
          %get3A_257 = vector.shape_cast %get3A_256 : vector<1x16xf32> to vector<16xf32>
          %add3A_258 = arith.addf %get3A_253, %get3A_257 : vector<16xf32>
          %get3A_259 = arith.index_cast %scan3A_207 : i32 to index
          %get3A_260 = arith.constant 32 : index
          %get3A_261 = tpu.vector_load %arg16[%get3A_259, %get3A_260] {strides = array<i32>} : memref<40x128xf32, #tpu.memory_space<vmem>>, vector<1x16xf32>,
          %get3A_262 = vector.shape_cast %get3A_261 : vector<1x16xf32> to vector<16xf32>
          %add3A_263 = arith.addf %add3A_258, %get3A_262 : vector<16xf32>
          %max3A_264 = arith.constant 0.000000e+00 : f32
          %max3A_265 = vector.broadcast %max3A_264 : f32 to vector<16xf32>
          %max3A_266 = arith.maximumf %add3A_263, %max3A_265 : vector<16xf32>
          %swap3A_267 = arith.index_cast %scan3A_207 : i32 to index
          %swap3A_268 = arith.constant 32 : index
          %swap3A_269 = tpu.vector_load %arg18[%swap3A_267, %swap3A_268] {strides = array<i32>} : memref<40x128xf32, #tpu.memory_space<vmem>>, vector<1x16xf32>,
          %swap3A_270 = vector.shape_cast %swap3A_269 : vector<1x16xf32> to vector<16xf32>
          %swap3A_271 = vector.shape_cast %max3A_266 : vector<16xf32> to vector<1x16xf32>
          tpu.vector_store %arg18[%swap3A_267, %swap3A_268], %swap3A_271 {strides = array<i32>} : memref<40x128xf32, #tpu.memory_space<vmem>>, vector<1x16xf32>,
          %get3A_272 = arith.index_cast %scan3A_207 : i32 to index
          %get3A_273 = arith.constant 48 : index
          %get3A_274 = tpu.vector_load %arg12[%get3A_272, %get3A_273] {strides = array<i32>} : memref<40x128xf32, #tpu.memory_space<vmem>>, vector<1x16xf32>,
          %get3A_275 = vector.shape_cast %get3A_274 : vector<1x16xf32> to vector<16xf32>
          %get3A_276 = arith.index_cast %scan3A_207 : i32 to index
          %get3A_277 = arith.constant 48 : index
          %get3A_278 = tpu.vector_load %arg14[%get3A_276, %get3A_277] {strides = array<i32>} : memref<40x128xf32, #tpu.memory_space<vmem>>, vector<1x16xf32>,
          %get3A_279 = vector.shape_cast %get3A_278 : vector<1x16xf32> to vector<16xf32>
          %add3A_280 = arith.addf %get3A_275, %get3A_279 : vector<16xf32>
          %get3A_281 = arith.index_cast %scan3A_207 : i32 to index
          %get3A_282 = arith.constant 48 : index
          %get3A_283 = tpu.vector_load %arg16[%get3A_281, %get3A_282] {strides = array<i32>} : memref<40x128xf32, #tpu.memory_space<vmem>>, vector<1x16xf32>,
          %get3A_284 = vector.shape_cast %get3A_283 : vector<1x16xf32> to vector<16xf32>
          %add3A_285 = arith.addf %add3A_280, %get3A_284 : vector<16xf32>
          %max3A_286 = arith.constant 0.000000e+00 : f32
          %max3A_287 = vector.broadcast %max3A_286 : f32 to vector<16xf32>
          %max3A_288 = arith.maximumf %add3A_285, %max3A_287 : vector<16xf32>
          %swap3A_289 = arith.index_cast %scan3A_207 : i32 to index
          %swap3A_290 = arith.constant 48 : index
          %swap3A_291 = tpu.vector_load %arg18[%swap3A_289, %swap3A_290] {strides = array<i32>} : memref<40x128xf32, #tpu.memory_space<vmem>>, vector<1x16xf32>,
          %swap3A_292 = vector.shape_cast %swap3A_291 : vector<1x16xf32> to vector<16xf32>
          %swap3A_293 = vector.shape_cast %max3A_288 : vector<16xf32> to vector<1x16xf32>
          tpu.vector_store %arg18[%swap3A_289, %swap3A_290], %swap3A_293 {strides = array<i32>} : memref<40x128xf32, #tpu.memory_space<vmem>>, vector<1x16xf32>,
          %get3A_294 = arith.index_cast %scan3A_207 : i32 to index
          %get3A_295 = arith.constant 64 : index
          %get3A_296 = tpu.vector_load %arg12[%get3A_294, %get3A_295] {strides = array<i32>} : memref<40x128xf32, #tpu.memory_space<vmem>>, vector<1x16xf32>,
          %get3A_297 = vector.shape_cast %get3A_296 : vector<1x16xf32> to vector<16xf32>
          %get3A_298 = arith.index_cast %scan3A_207 : i32 to index
          %get3A_299 = arith.constant 64 : index
          %get3A_300 = tpu.vector_load %arg14[%get3A_298, %get3A_299] {strides = array<i32>} : memref<40x128xf32, #tpu.memory_space<vmem>>, vector<1x16xf32>,
          %get3A_301 = vector.shape_cast %get3A_300 : vector<1x16xf32> to vector<16xf32>
          %add3A_302 = arith.addf %get3A_297, %get3A_301 : vector<16xf32>
          %get3A_303 = arith.index_cast %scan3A_207 : i32 to index
          %get3A_304 = arith.constant 64 : index
          %get3A_305 = tpu.vector_load %arg16[%get3A_303, %get3A_304] {strides = array<i32>} : memref<40x128xf32, #tpu.memory_space<vmem>>, vector<1x16xf32>,
          %get3A_306 = vector.shape_cast %get3A_305 : vector<1x16xf32> to vector<16xf32>
          %add3A_307 = arith.addf %add3A_302, %get3A_306 : vector<16xf32>
          %max3A_308 = arith.constant 0.000000e+00 : f32
          %max3A_309 = vector.broadcast %max3A_308 : f32 to vector<16xf32>
          %max3A_310 = arith.maximumf %add3A_307, %max3A_309 : vector<16xf32>
          %swap3A_311 = arith.index_cast %scan3A_207 : i32 to index
          %swap3A_312 = arith.constant 64 : index
          %swap3A_313 = tpu.vector_load %arg18[%swap3A_311, %swap3A_312] {strides = array<i32>} : memref<40x128xf32, #tpu.memory_space<vmem>>, vector<1x16xf32>,
          %swap3A_314 = vector.shape_cast %swap3A_313 : vector<1x16xf32> to vector<16xf32>
          %swap3A_315 = vector.shape_cast %max3A_310 : vector<16xf32> to vector<1x16xf32>
          tpu.vector_store %arg18[%swap3A_311, %swap3A_312], %swap3A_315 {strides = array<i32>} : memref<40x128xf32, #tpu.memory_space<vmem>>, vector<1x16xf32>,
          %get3A_316 = arith.index_cast %scan3A_207 : i32 to index
          %get3A_317 = arith.constant 80 : index
          %get3A_318 = tpu.vector_load %arg12[%get3A_316, %get3A_317] {strides = array<i32>} : memref<40x128xf32, #tpu.memory_space<vmem>>, vector<1x16xf32>,
          %get3A_319 = vector.shape_cast %get3A_318 : vector<1x16xf32> to vector<16xf32>
          %get3A_320 = arith.index_cast %scan3A_207 : i32 to index
          %get3A_321 = arith.constant 80 : index
          %get3A_322 = tpu.vector_load %arg14[%get3A_320, %get3A_321] {strides = array<i32>} : memref<40x128xf32, #tpu.memory_space<vmem>>, vector<1x16xf32>,
          %get3A_323 = vector.shape_cast %get3A_322 : vector<1x16xf32> to vector<16xf32>
          %add3A_324 = arith.addf %get3A_319, %get3A_323 : vector<16xf32>
          %get3A_325 = arith.index_cast %scan3A_207 : i32 to index
          %get3A_326 = arith.constant 80 : index
          %get3A_327 = tpu.vector_load %arg16[%get3A_325, %get3A_326] {strides = array<i32>} : memref<40x128xf32, #tpu.memory_space<vmem>>, vector<1x16xf32>,
          %get3A_328 = vector.shape_cast %get3A_327 : vector<1x16xf32> to vector<16xf32>
          %add3A_329 = arith.addf %add3A_324, %get3A_328 : vector<16xf32>
          %max3A_330 = arith.constant 0.000000e+00 : f32
          %max3A_331 = vector.broadcast %max3A_330 : f32 to vector<16xf32>
          %max3A_332 = arith.maximumf %add3A_329, %max3A_331 : vector<16xf32>
          %swap3A_333 = arith.index_cast %scan3A_207 : i32 to index
          %swap3A_334 = arith.constant 80 : index
          %swap3A_335 = tpu.vector_load %arg18[%swap3A_333, %swap3A_334] {strides = array<i32>} : memref<40x128xf32, #tpu.memory_space<vmem>>, vector<1x16xf32>,
          %swap3A_336 = vector.shape_cast %swap3A_335 : vector<1x16xf32> to vector<16xf32>
          %swap3A_337 = vector.shape_cast %max3A_332 : vector<16xf32> to vector<1x16xf32>
          tpu.vector_store %arg18[%swap3A_333, %swap3A_334], %swap3A_337 {strides = array<i32>} : memref<40x128xf32, #tpu.memory_space<vmem>>, vector<1x16xf32>,
          %get3A_338 = arith.index_cast %scan3A_207 : i32 to index
          %get3A_339 = arith.constant 96 : index
          %get3A_340 = tpu.vector_load %arg12[%get3A_338, %get3A_339] {strides = array<i32>} : memref<40x128xf32, #tpu.memory_space<vmem>>, vector<1x16xf32>,
          %get3A_341 = vector.shape_cast %get3A_340 : vector<1x16xf32> to vector<16xf32>
          %get3A_342 = arith.index_cast %scan3A_207 : i32 to index
          %get3A_343 = arith.constant 96 : index
          %get3A_344 = tpu.vector_load %arg14[%get3A_342, %get3A_343] {strides = array<i32>} : memref<40x128xf32, #tpu.memory_space<vmem>>, vector<1x16xf32>,
          %get3A_345 = vector.shape_cast %get3A_344 : vector<1x16xf32> to vector<16xf32>
          %add3A_346 = arith.addf %get3A_341, %get3A_345 : vector<16xf32>
          %get3A_347 = arith.index_cast %scan3A_207 : i32 to index
          %get3A_348 = arith.constant 96 : index
          %get3A_349 = tpu.vector_load %arg16[%get3A_347, %get3A_348] {strides = array<i32>} : memref<40x128xf32, #tpu.memory_space<vmem>>, vector<1x16xf32>,
          %get3A_350 = vector.shape_cast %get3A_349 : vector<1x16xf32> to vector<16xf32>
          %add3A_351 = arith.addf %add3A_346, %get3A_350 : vector<16xf32>
          %max3A_352 = arith.constant 0.000000e+00 : f32
          %max3A_353 = vector.broadcast %max3A_352 : f32 to vector<16xf32>
          %max3A_354 = arith.maximumf %add3A_351, %max3A_353 : vector<16xf32>
          %swap3A_355 = arith.index_cast %scan3A_207 : i32 to index
          %swap3A_356 = arith.constant 96 : index
          %swap3A_357 = tpu.vector_load %arg18[%swap3A_355, %swap3A_356] {strides = array<i32>} : memref<40x128xf32, #tpu.memory_space<vmem>>, vector<1x16xf32>,
          %swap3A_358 = vector.shape_cast %swap3A_357 : vector<1x16xf32> to vector<16xf32>
          %swap3A_359 = vector.shape_cast %max3A_354 : vector<16xf32> to vector<1x16xf32>
          tpu.vector_store %arg18[%swap3A_355, %swap3A_356], %swap3A_359 {strides = array<i32>} : memref<40x128xf32, #tpu.memory_space<vmem>>, vector<1x16xf32>,
          %get3A_360 = arith.index_cast %scan3A_207 : i32 to index
          %get3A_361 = arith.constant 112 : index
          %get3A_362 = tpu.vector_load %arg12[%get3A_360, %get3A_361] {strides = array<i32>} : memref<40x128xf32, #tpu.memory_space<vmem>>, vector<1x16xf32>,
          %get3A_363 = vector.shape_cast %get3A_362 : vector<1x16xf32> to vector<16xf32>
          %get3A_364 = arith.index_cast %scan3A_207 : i32 to index
          %get3A_365 = arith.constant 112 : index
          %get3A_366 = tpu.vector_load %arg14[%get3A_364, %get3A_365] {strides = array<i32>} : memref<40x128xf32, #tpu.memory_space<vmem>>, vector<1x16xf32>,
          %get3A_367 = vector.shape_cast %get3A_366 : vector<1x16xf32> to vector<16xf32>
          %add3A_368 = arith.addf %get3A_363, %get3A_367 : vector<16xf32>
          %get3A_369 = arith.index_cast %scan3A_207 : i32 to index
          %get3A_370 = arith.constant 112 : index
          %get3A_371 = tpu.vector_load %arg16[%get3A_369, %get3A_370] {strides = array<i32>} : memref<40x128xf32, #tpu.memory_space<vmem>>, vector<1x16xf32>,
          %get3A_372 = vector.shape_cast %get3A_371 : vector<1x16xf32> to vector<16xf32>
          %add3A_373 = arith.addf %add3A_368, %get3A_372 : vector<16xf32>
          %max3A_374 = arith.constant 0.000000e+00 : f32
          %max3A_375 = vector.broadcast %max3A_374 : f32 to vector<16xf32>
          %max3A_376 = arith.maximumf %add3A_373, %max3A_375 : vector<16xf32>
          %swap3A_377 = arith.index_cast %scan3A_207 : i32 to index
          %swap3A_378 = arith.constant 112 : index
          %swap3A_379 = tpu.vector_load %arg18[%swap3A_377, %swap3A_378] {strides = array<i32>} : memref<40x128xf32, #tpu.memory_space<vmem>>, vector<1x16xf32>,
          %swap3A_380 = vector.shape_cast %swap3A_379 : vector<1x16xf32> to vector<16xf32>
          %swap3A_381 = vector.shape_cast %max3A_376 : vector<16xf32> to vector<1x16xf32>
          tpu.vector_store %arg18[%swap3A_377, %swap3A_378], %swap3A_381 {strides = array<i32>} : memref<40x128xf32, #tpu.memory_space<vmem>>, vector<1x16xf32>,
          %scan3A_382 = arith.constant 0 : i32
          scf.yield %scan3A_382 : i32
        }
        %scan3A_168 = arith.constant 40 : i32
        "tpu.region"() ({
          %run_scoped3A = tpu.sem_alloc : memref<!tpu.dma_semaphore, #tpu.memory_space<semaphore_mem>>
          %dma_start3A_207 = arith.constant 0 : i32
          %dma_start3A_208 = tpu.memref_slice %arg11[%mul3A_123, %dma_start3A_207] : memref<8x40xi32, #tpu.memory_space<vmem>> -> memref<1x40xi32, #tpu.memory_space<vmem>>
          %dma_start3A_209 = tpu.memref_squeeze %dma_start3A_208 : memref<1x40xi32, #tpu.memory_space<vmem>> -> memref<40xi32, #tpu.memory_space<vmem>>
          %dma_start3A_210 = arith.constant 0 : i32
          %dma_start3A_211 = arith.constant 0 : i32
          %dma_start3A_212 = tpu.memref_slice %arg19[%dma_start3A_210, %dma_start3A_211] : memref<10240x128xf32, #tpu.memory_space<vmem_shared>> -> memref<10240x128xf32, #tpu.memory_space<vmem_shared>>
          tpu.enqueue_indirect_dma source(%arg18 : memref<40x128xf32, #tpu.memory_space<vmem>>) target(%dma_start3A_212 : memref<10240x128xf32, #tpu.memory_space<vmem_shared>>) offsets(%dma_start3A_209 : memref<40xi32, #tpu.memory_space<vmem>>) semaphore(%run_scoped3A : memref<!tpu.dma_semaphore, #tpu.memory_space<semaphore_mem>>) {add = true}
          %dma_wait3A_213 = arith.constant 0 : i32
          %dma_wait3A_214 = tpu.memref_slice %arg11[%mul3A_123, %dma_wait3A_213] : memref<8x40xi32, #tpu.memory_space<vmem>> -> memref<1x40xi32, #tpu.memory_space<vmem>>
          %dma_wait3A_215 = tpu.memref_squeeze %dma_wait3A_214 : memref<1x40xi32, #tpu.memory_space<vmem>> -> memref<40xi32, #tpu.memory_space<vmem>>
          %dma_wait3A_216 = arith.constant 0 : i32
          %dma_wait3A_217 = arith.constant 0 : i32
          %dma_wait3A_218 = tpu.memref_slice %arg19[%dma_wait3A_216, %dma_wait3A_217] : memref<10240x128xf32, #tpu.memory_space<vmem_shared>> -> memref<10240x128xf32, #tpu.memory_space<vmem_shared>>
          tpu.wait_indirect_dma semaphore(%run_scoped3A : memref<!tpu.dma_semaphore, #tpu.memory_space<semaphore_mem>>) src(%arg18 : memref<40x128xf32, #tpu.memory_space<vmem>>) dst(%dma_wait3A_218 : memref<10240x128xf32, #tpu.memory_space<vmem_shared>>)
          tpu.yield
        }) : () -> ()
        %add3A_169 = arith.constant 2 : i32
        %add3A_170 = arith.addi %mul3A_123, %add3A_169 : i32
        %lt3A_171 = arith.constant 8 : i32
        %lt3A_172 = arith.cmpi slt, %add3A_170, %lt3A_171 : i32
        %convert_element_type3A_173 = arith.extui %lt3A_172 : i1 to i32
        %cond3A_174 = arith.constant 0 : i32
        %cond3A_175 = arith.cmpi ne, %convert_element_type3A_173, %cond3A_174 : i32
        scf.if %cond3A_175 {
          %add3A_207 = arith.constant 2 : i32
          %add3A_208 = arith.addi %mul3A_123, %add3A_207 : i32
          %add3A_209 = arith.constant 2 : i32
          %add3A_210 = arith.addi %add3A_124, %add3A_209 : i32
          %dma_start3A_211 = arith.constant 0 : i32
          %dma_start3A_212 = tpu.memref_slice %arg9[%add3A_208, %dma_start3A_211] : memref<8x40xi32, #tpu.memory_space<vmem>> -> memref<1x40xi32, #tpu.memory_space<vmem>>
          %dma_start3A_213 = tpu.memref_squeeze %dma_start3A_212 : memref<1x40xi32, #tpu.memory_space<vmem>> -> memref<40xi32, #tpu.memory_space<vmem>>
          %dma_start3A_214 = arith.constant 0 : i32
          %dma_start3A_215 = arith.constant 0 : i32
          %dma_start3A_216 = tpu.memref_slice %arg2[%dma_start3A_214, %dma_start3A_215] : memref<10000x128xf32, #tpu.memory_space<hbm>> -> memref<10000x128xf32, #tpu.memory_space<hbm>>
          tpu.enqueue_indirect_dma source(%dma_start3A_216 : memref<10000x128xf32, #tpu.memory_space<hbm>>) target(%arg12 : memref<40x128xf32, #tpu.memory_space<vmem>>) offsets(%dma_start3A_213 : memref<40xi32, #tpu.memory_space<vmem>>) semaphore(%arg20 : memref<!tpu.dma_semaphore, #tpu.memory_space<semaphore_mem>>)
          %dma_start3A_217 = arith.constant 0 : i32
          %dma_start3A_218 = tpu.memref_slice %arg10[%add3A_208, %dma_start3A_217] : memref<8x40xi32, #tpu.memory_space<vmem>> -> memref<1x40xi32, #tpu.memory_space<vmem>>
          %dma_start3A_219 = tpu.memref_squeeze %dma_start3A_218 : memref<1x40xi32, #tpu.memory_space<vmem>> -> memref<40xi32, #tpu.memory_space<vmem>>
          %dma_start3A_220 = arith.constant 0 : i32
          %dma_start3A_221 = arith.constant 0 : i32
          %dma_start3A_222 = tpu.memref_slice %arg3[%dma_start3A_220, %dma_start3A_221] : memref<10000x128xf32, #tpu.memory_space<hbm>> -> memref<10000x128xf32, #tpu.memory_space<hbm>>
          tpu.enqueue_indirect_dma source(%dma_start3A_222 : memref<10000x128xf32, #tpu.memory_space<hbm>>) target(%arg14 : memref<40x128xf32, #tpu.memory_space<vmem>>) offsets(%dma_start3A_219 : memref<40xi32, #tpu.memory_space<vmem>>) semaphore(%arg22 : memref<!tpu.dma_semaphore, #tpu.memory_space<semaphore_mem>>)
          %lt3A_223 = arith.constant 4000 : i32
          %lt3A_224 = arith.cmpi slt, %add3A_210, %lt3A_223 : i32
          %convert_element_type3A_225 = arith.extui %lt3A_224 : i1 to i32
          %cond3A_226 = arith.constant 0 : i32
          %cond3A_227 = arith.cmpi ne, %convert_element_type3A_225, %cond3A_226 : i32
          scf.if %cond3A_227 {
            %mul3A_228 = arith.constant 40 : i32
            %mul3A_229 = arith.muli %add3A_210, %mul3A_228 : i32
            %dma_start3A_230 = arith.constant 0 : i32
            %dma_start3A_231 = tpu.memref_slice %arg4[%mul3A_229, %dma_start3A_230] : memref<160000x128xf32, #tpu.memory_space<hbm>> -> memref<40x128xf32, #tpu.memory_space<hbm>>
            %dma_start3A_232 = arith.constant 0 : i32
            %dma_start3A_233 = tpu.memref_slice %arg4[%mul3A_229, %dma_start3A_232] : memref<160000x128xf32, #tpu.memory_space<hbm>> -> memref<40x128xf32, #tpu.memory_space<hbm>>
            tpu.enqueue_dma source(%dma_start3A_233 : memref<40x128xf32, #tpu.memory_space<hbm>>) target(%arg16 : memref<40x128xf32, #tpu.memory_space<vmem>>) target_semaphore(%arg24 : memref<!tpu.dma_semaphore, #tpu.memory_space<semaphore_mem>>)
          } else {
          }
        } else {
        }
        %add3A_176 = arith.constant 1 : i32
        %add3A_177 = arith.addi %mul3A_123, %add3A_176 : i32
        %add3A_178 = arith.constant 1 : i32
        %add3A_179 = arith.addi %add3A_124, %add3A_178 : i32
        %dma_wait3A_180 = arith.constant 0 : i32
        %dma_wait3A_181 = tpu.memref_slice %arg9[%add3A_177, %dma_wait3A_180] : memref<8x40xi32, #tpu.memory_space<vmem>> -> memref<1x40xi32, #tpu.memory_space<vmem>>
        %dma_wait3A_182 = tpu.memref_squeeze %dma_wait3A_181 : memref<1x40xi32, #tpu.memory_space<vmem>> -> memref<40xi32, #tpu.memory_space<vmem>>
        %dma_wait3A_183 = arith.constant 0 : i32
        %dma_wait3A_184 = arith.constant 0 : i32
        %dma_wait3A_185 = tpu.memref_slice %arg2[%dma_wait3A_183, %dma_wait3A_184] : memref<10000x128xf32, #tpu.memory_space<hbm>> -> memref<10000x128xf32, #tpu.memory_space<hbm>>
        tpu.wait_indirect_dma semaphore(%arg21 : memref<!tpu.dma_semaphore, #tpu.memory_space<semaphore_mem>>) src(%dma_wait3A_185 : memref<10000x128xf32, #tpu.memory_space<hbm>>) dst(%arg13 : memref<40x128xf32, #tpu.memory_space<vmem>>)
        %dma_wait3A_186 = arith.constant 0 : i32
        %dma_wait3A_187 = tpu.memref_slice %arg10[%add3A_177, %dma_wait3A_186] : memref<8x40xi32, #tpu.memory_space<vmem>> -> memref<1x40xi32, #tpu.memory_space<vmem>>
        %dma_wait3A_188 = tpu.memref_squeeze %dma_wait3A_187 : memref<1x40xi32, #tpu.memory_space<vmem>> -> memref<40xi32, #tpu.memory_space<vmem>>
        %dma_wait3A_189 = arith.constant 0 : i32
        %dma_wait3A_190 = arith.constant 0 : i32
        %dma_wait3A_191 = tpu.memref_slice %arg3[%dma_wait3A_189, %dma_wait3A_190] : memref<10000x128xf32, #tpu.memory_space<hbm>> -> memref<10000x128xf32, #tpu.memory_space<hbm>>
        tpu.wait_indirect_dma semaphore(%arg23 : memref<!tpu.dma_semaphore, #tpu.memory_space<semaphore_mem>>) src(%dma_wait3A_191 : memref<10000x128xf32, #tpu.memory_space<hbm>>) dst(%arg15 : memref<40x128xf32, #tpu.memory_space<vmem>>)
        %lt3A_192 = arith.constant 4000 : i32
        %lt3A_193 = arith.cmpi slt, %add3A_179, %lt3A_192 : i32
        %convert_element_type3A_194 = arith.extui %lt3A_193 : i1 to i32
        %cond3A_195 = arith.constant 0 : i32
        %cond3A_196 = arith.cmpi ne, %convert_element_type3A_194, %cond3A_195 : i32
        scf.if %cond3A_196 {
          %mul3A_207 = arith.constant 40 : i32
          %mul3A_208 = arith.muli %add3A_179, %mul3A_207 : i32
          %dma_wait3A_209 = arith.constant 0 : i32
          %dma_wait3A_210 = tpu.memref_slice %arg4[%mul3A_208, %dma_wait3A_209] : memref<160000x128xf32, #tpu.memory_space<hbm>> -> memref<40x128xf32, #tpu.memory_space<hbm>>
          %dma_wait3A_211 = arith.constant 0 : i32
          %dma_wait3A_212 = tpu.memref_slice %arg4[%mul3A_208, %dma_wait3A_211] : memref<160000x128xf32, #tpu.memory_space<hbm>> -> memref<40x128xf32, #tpu.memory_space<hbm>>
          tpu.wait_dma2 semaphore(%arg25 : memref<!tpu.dma_semaphore, #tpu.memory_space<semaphore_mem>>) src(%dma_wait3A_212 : memref<40x128xf32, #tpu.memory_space<hbm>>) dst(%arg17 : memref<40x128xf32, #tpu.memory_space<vmem>>)
        } else {
        }
        %scan3A_197 = arith.constant 0 : i32
        %scan3A_198 = arith.constant 0 : i32
        %scan3A_199 = arith.constant 40 : i32
        %scan3A_200 = arith.addi %scan3A_198, %scan3A_199 : i32
        %scan3A_201 = arith.constant 1 : i32
        %scan3A_202 = scf.for %scan3A_207 = %scan3A_198 to %scan3A_200 step %scan3A_201 iter_args(%scan3A_208 = %scan3A_197) -> (i32)  : i32 {
          %get3A = arith.index_cast %scan3A_207 : i32 to index
          %get3A_209 = arith.constant 0 : index
          %get3A_210 = tpu.vector_load %arg13[%get3A, %get3A_209] {strides = array<i32>} : memref<40x128xf32, #tpu.memory_space<vmem>>, vector<1x16xf32>,
          %get3A_211 = vector.shape_cast %get3A_210 : vector<1x16xf32> to vector<16xf32>
          %get3A_212 = arith.index_cast %scan3A_207 : i32 to index
          %get3A_213 = arith.constant 0 : index
          %get3A_214 = tpu.vector_load %arg15[%get3A_212, %get3A_213] {strides = array<i32>} : memref<40x128xf32, #tpu.memory_space<vmem>>, vector<1x16xf32>,
          %get3A_215 = vector.shape_cast %get3A_214 : vector<1x16xf32> to vector<16xf32>
          %add3A_216 = arith.addf %get3A_211, %get3A_215 : vector<16xf32>
          %get3A_217 = arith.index_cast %scan3A_207 : i32 to index
          %get3A_218 = arith.constant 0 : index
          %get3A_219 = tpu.vector_load %arg17[%get3A_217, %get3A_218] {strides = array<i32>} : memref<40x128xf32, #tpu.memory_space<vmem>>, vector<1x16xf32>,
          %get3A_220 = vector.shape_cast %get3A_219 : vector<1x16xf32> to vector<16xf32>
          %add3A_221 = arith.addf %add3A_216, %get3A_220 : vector<16xf32>
          %max3A = arith.constant 0.000000e+00 : f32
          %max3A_222 = vector.broadcast %max3A : f32 to vector<16xf32>
          %max3A_223 = arith.maximumf %add3A_221, %max3A_222 : vector<16xf32>
          %swap3A = arith.index_cast %scan3A_207 : i32 to index
          %swap3A_224 = arith.constant 0 : index
          %swap3A_225 = tpu.vector_load %arg18[%swap3A, %swap3A_224] {strides = array<i32>} : memref<40x128xf32, #tpu.memory_space<vmem>>, vector<1x16xf32>,
          %swap3A_226 = vector.shape_cast %swap3A_225 : vector<1x16xf32> to vector<16xf32>
          %swap3A_227 = vector.shape_cast %max3A_223 : vector<16xf32> to vector<1x16xf32>
          tpu.vector_store %arg18[%swap3A, %swap3A_224], %swap3A_227 {strides = array<i32>} : memref<40x128xf32, #tpu.memory_space<vmem>>, vector<1x16xf32>,
          %get3A_228 = arith.index_cast %scan3A_207 : i32 to index
          %get3A_229 = arith.constant 16 : index
          %get3A_230 = tpu.vector_load %arg13[%get3A_228, %get3A_229] {strides = array<i32>} : memref<40x128xf32, #tpu.memory_space<vmem>>, vector<1x16xf32>,
          %get3A_231 = vector.shape_cast %get3A_230 : vector<1x16xf32> to vector<16xf32>
          %get3A_232 = arith.index_cast %scan3A_207 : i32 to index
          %get3A_233 = arith.constant 16 : index
          %get3A_234 = tpu.vector_load %arg15[%get3A_232, %get3A_233] {strides = array<i32>} : memref<40x128xf32, #tpu.memory_space<vmem>>, vector<1x16xf32>,
          %get3A_235 = vector.shape_cast %get3A_234 : vector<1x16xf32> to vector<16xf32>
          %add3A_236 = arith.addf %get3A_231, %get3A_235 : vector<16xf32>
          %get3A_237 = arith.index_cast %scan3A_207 : i32 to index
          %get3A_238 = arith.constant 16 : index
          %get3A_239 = tpu.vector_load %arg17[%get3A_237, %get3A_238] {strides = array<i32>} : memref<40x128xf32, #tpu.memory_space<vmem>>, vector<1x16xf32>,
          %get3A_240 = vector.shape_cast %get3A_239 : vector<1x16xf32> to vector<16xf32>
          %add3A_241 = arith.addf %add3A_236, %get3A_240 : vector<16xf32>
          %max3A_242 = arith.constant 0.000000e+00 : f32
          %max3A_243 = vector.broadcast %max3A_242 : f32 to vector<16xf32>
          %max3A_244 = arith.maximumf %add3A_241, %max3A_243 : vector<16xf32>
          %swap3A_245 = arith.index_cast %scan3A_207 : i32 to index
          %swap3A_246 = arith.constant 16 : index
          %swap3A_247 = tpu.vector_load %arg18[%swap3A_245, %swap3A_246] {strides = array<i32>} : memref<40x128xf32, #tpu.memory_space<vmem>>, vector<1x16xf32>,
          %swap3A_248 = vector.shape_cast %swap3A_247 : vector<1x16xf32> to vector<16xf32>
          %swap3A_249 = vector.shape_cast %max3A_244 : vector<16xf32> to vector<1x16xf32>
          tpu.vector_store %arg18[%swap3A_245, %swap3A_246], %swap3A_249 {strides = array<i32>} : memref<40x128xf32, #tpu.memory_space<vmem>>, vector<1x16xf32>,
          %get3A_250 = arith.index_cast %scan3A_207 : i32 to index
          %get3A_251 = arith.constant 32 : index
          %get3A_252 = tpu.vector_load %arg13[%get3A_250, %get3A_251] {strides = array<i32>} : memref<40x128xf32, #tpu.memory_space<vmem>>, vector<1x16xf32>,
          %get3A_253 = vector.shape_cast %get3A_252 : vector<1x16xf32> to vector<16xf32>
          %get3A_254 = arith.index_cast %scan3A_207 : i32 to index
          %get3A_255 = arith.constant 32 : index
          %get3A_256 = tpu.vector_load %arg15[%get3A_254, %get3A_255] {strides = array<i32>} : memref<40x128xf32, #tpu.memory_space<vmem>>, vector<1x16xf32>,
          %get3A_257 = vector.shape_cast %get3A_256 : vector<1x16xf32> to vector<16xf32>
          %add3A_258 = arith.addf %get3A_253, %get3A_257 : vector<16xf32>
          %get3A_259 = arith.index_cast %scan3A_207 : i32 to index
          %get3A_260 = arith.constant 32 : index
          %get3A_261 = tpu.vector_load %arg17[%get3A_259, %get3A_260] {strides = array<i32>} : memref<40x128xf32, #tpu.memory_space<vmem>>, vector<1x16xf32>,
          %get3A_262 = vector.shape_cast %get3A_261 : vector<1x16xf32> to vector<16xf32>
          %add3A_263 = arith.addf %add3A_258, %get3A_262 : vector<16xf32>
          %max3A_264 = arith.constant 0.000000e+00 : f32
          %max3A_265 = vector.broadcast %max3A_264 : f32 to vector<16xf32>
          %max3A_266 = arith.maximumf %add3A_263, %max3A_265 : vector<16xf32>
          %swap3A_267 = arith.index_cast %scan3A_207 : i32 to index
          %swap3A_268 = arith.constant 32 : index
          %swap3A_269 = tpu.vector_load %arg18[%swap3A_267, %swap3A_268] {strides = array<i32>} : memref<40x128xf32, #tpu.memory_space<vmem>>, vector<1x16xf32>,
          %swap3A_270 = vector.shape_cast %swap3A_269 : vector<1x16xf32> to vector<16xf32>
          %swap3A_271 = vector.shape_cast %max3A_266 : vector<16xf32> to vector<1x16xf32>
          tpu.vector_store %arg18[%swap3A_267, %swap3A_268], %swap3A_271 {strides = array<i32>} : memref<40x128xf32, #tpu.memory_space<vmem>>, vector<1x16xf32>,
          %get3A_272 = arith.index_cast %scan3A_207 : i32 to index
          %get3A_273 = arith.constant 48 : index
          %get3A_274 = tpu.vector_load %arg13[%get3A_272, %get3A_273] {strides = array<i32>} : memref<40x128xf32, #tpu.memory_space<vmem>>, vector<1x16xf32>,
          %get3A_275 = vector.shape_cast %get3A_274 : vector<1x16xf32> to vector<16xf32>
          %get3A_276 = arith.index_cast %scan3A_207 : i32 to index
          %get3A_277 = arith.constant 48 : index
          %get3A_278 = tpu.vector_load %arg15[%get3A_276, %get3A_277] {strides = array<i32>} : memref<40x128xf32, #tpu.memory_space<vmem>>, vector<1x16xf32>,
          %get3A_279 = vector.shape_cast %get3A_278 : vector<1x16xf32> to vector<16xf32>
          %add3A_280 = arith.addf %get3A_275, %get3A_279 : vector<16xf32>
          %get3A_281 = arith.index_cast %scan3A_207 : i32 to index
          %get3A_282 = arith.constant 48 : index
          %get3A_283 = tpu.vector_load %arg17[%get3A_281, %get3A_282] {strides = array<i32>} : memref<40x128xf32, #tpu.memory_space<vmem>>, vector<1x16xf32>,
          %get3A_284 = vector.shape_cast %get3A_283 : vector<1x16xf32> to vector<16xf32>
          %add3A_285 = arith.addf %add3A_280, %get3A_284 : vector<16xf32>
          %max3A_286 = arith.constant 0.000000e+00 : f32
          %max3A_287 = vector.broadcast %max3A_286 : f32 to vector<16xf32>
          %max3A_288 = arith.maximumf %add3A_285, %max3A_287 : vector<16xf32>
          %swap3A_289 = arith.index_cast %scan3A_207 : i32 to index
          %swap3A_290 = arith.constant 48 : index
          %swap3A_291 = tpu.vector_load %arg18[%swap3A_289, %swap3A_290] {strides = array<i32>} : memref<40x128xf32, #tpu.memory_space<vmem>>, vector<1x16xf32>,
          %swap3A_292 = vector.shape_cast %swap3A_291 : vector<1x16xf32> to vector<16xf32>
          %swap3A_293 = vector.shape_cast %max3A_288 : vector<16xf32> to vector<1x16xf32>
          tpu.vector_store %arg18[%swap3A_289, %swap3A_290], %swap3A_293 {strides = array<i32>} : memref<40x128xf32, #tpu.memory_space<vmem>>, vector<1x16xf32>,
          %get3A_294 = arith.index_cast %scan3A_207 : i32 to index
          %get3A_295 = arith.constant 64 : index
          %get3A_296 = tpu.vector_load %arg13[%get3A_294, %get3A_295] {strides = array<i32>} : memref<40x128xf32, #tpu.memory_space<vmem>>, vector<1x16xf32>,
          %get3A_297 = vector.shape_cast %get3A_296 : vector<1x16xf32> to vector<16xf32>
          %get3A_298 = arith.index_cast %scan3A_207 : i32 to index
          %get3A_299 = arith.constant 64 : index
          %get3A_300 = tpu.vector_load %arg15[%get3A_298, %get3A_299] {strides = array<i32>} : memref<40x128xf32, #tpu.memory_space<vmem>>, vector<1x16xf32>,
          %get3A_301 = vector.shape_cast %get3A_300 : vector<1x16xf32> to vector<16xf32>
          %add3A_302 = arith.addf %get3A_297, %get3A_301 : vector<16xf32>
          %get3A_303 = arith.index_cast %scan3A_207 : i32 to index
          %get3A_304 = arith.constant 64 : index
          %get3A_305 = tpu.vector_load %arg17[%get3A_303, %get3A_304] {strides = array<i32>} : memref<40x128xf32, #tpu.memory_space<vmem>>, vector<1x16xf32>,
          %get3A_306 = vector.shape_cast %get3A_305 : vector<1x16xf32> to vector<16xf32>
          %add3A_307 = arith.addf %add3A_302, %get3A_306 : vector<16xf32>
          %max3A_308 = arith.constant 0.000000e+00 : f32
          %max3A_309 = vector.broadcast %max3A_308 : f32 to vector<16xf32>
          %max3A_310 = arith.maximumf %add3A_307, %max3A_309 : vector<16xf32>
          %swap3A_311 = arith.index_cast %scan3A_207 : i32 to index
          %swap3A_312 = arith.constant 64 : index
          %swap3A_313 = tpu.vector_load %arg18[%swap3A_311, %swap3A_312] {strides = array<i32>} : memref<40x128xf32, #tpu.memory_space<vmem>>, vector<1x16xf32>,
          %swap3A_314 = vector.shape_cast %swap3A_313 : vector<1x16xf32> to vector<16xf32>
          %swap3A_315 = vector.shape_cast %max3A_310 : vector<16xf32> to vector<1x16xf32>
          tpu.vector_store %arg18[%swap3A_311, %swap3A_312], %swap3A_315 {strides = array<i32>} : memref<40x128xf32, #tpu.memory_space<vmem>>, vector<1x16xf32>,
          %get3A_316 = arith.index_cast %scan3A_207 : i32 to index
          %get3A_317 = arith.constant 80 : index
          %get3A_318 = tpu.vector_load %arg13[%get3A_316, %get3A_317] {strides = array<i32>} : memref<40x128xf32, #tpu.memory_space<vmem>>, vector<1x16xf32>,
          %get3A_319 = vector.shape_cast %get3A_318 : vector<1x16xf32> to vector<16xf32>
          %get3A_320 = arith.index_cast %scan3A_207 : i32 to index
          %get3A_321 = arith.constant 80 : index
          %get3A_322 = tpu.vector_load %arg15[%get3A_320, %get3A_321] {strides = array<i32>} : memref<40x128xf32, #tpu.memory_space<vmem>>, vector<1x16xf32>,
          %get3A_323 = vector.shape_cast %get3A_322 : vector<1x16xf32> to vector<16xf32>
          %add3A_324 = arith.addf %get3A_319, %get3A_323 : vector<16xf32>
          %get3A_325 = arith.index_cast %scan3A_207 : i32 to index
          %get3A_326 = arith.constant 80 : index
          %get3A_327 = tpu.vector_load %arg17[%get3A_325, %get3A_326] {strides = array<i32>} : memref<40x128xf32, #tpu.memory_space<vmem>>, vector<1x16xf32>,
          %get3A_328 = vector.shape_cast %get3A_327 : vector<1x16xf32> to vector<16xf32>
          %add3A_329 = arith.addf %add3A_324, %get3A_328 : vector<16xf32>
          %max3A_330 = arith.constant 0.000000e+00 : f32
          %max3A_331 = vector.broadcast %max3A_330 : f32 to vector<16xf32>
          %max3A_332 = arith.maximumf %add3A_329, %max3A_331 : vector<16xf32>
          %swap3A_333 = arith.index_cast %scan3A_207 : i32 to index
          %swap3A_334 = arith.constant 80 : index
          %swap3A_335 = tpu.vector_load %arg18[%swap3A_333, %swap3A_334] {strides = array<i32>} : memref<40x128xf32, #tpu.memory_space<vmem>>, vector<1x16xf32>,
          %swap3A_336 = vector.shape_cast %swap3A_335 : vector<1x16xf32> to vector<16xf32>
          %swap3A_337 = vector.shape_cast %max3A_332 : vector<16xf32> to vector<1x16xf32>
          tpu.vector_store %arg18[%swap3A_333, %swap3A_334], %swap3A_337 {strides = array<i32>} : memref<40x128xf32, #tpu.memory_space<vmem>>, vector<1x16xf32>,
          %get3A_338 = arith.index_cast %scan3A_207 : i32 to index
          %get3A_339 = arith.constant 96 : index
          %get3A_340 = tpu.vector_load %arg13[%get3A_338, %get3A_339] {strides = array<i32>} : memref<40x128xf32, #tpu.memory_space<vmem>>, vector<1x16xf32>,
          %get3A_341 = vector.shape_cast %get3A_340 : vector<1x16xf32> to vector<16xf32>
          %get3A_342 = arith.index_cast %scan3A_207 : i32 to index
          %get3A_343 = arith.constant 96 : index
          %get3A_344 = tpu.vector_load %arg15[%get3A_342, %get3A_343] {strides = array<i32>} : memref<40x128xf32, #tpu.memory_space<vmem>>, vector<1x16xf32>,
          %get3A_345 = vector.shape_cast %get3A_344 : vector<1x16xf32> to vector<16xf32>
          %add3A_346 = arith.addf %get3A_341, %get3A_345 : vector<16xf32>
          %get3A_347 = arith.index_cast %scan3A_207 : i32 to index
          %get3A_348 = arith.constant 96 : index
          %get3A_349 = tpu.vector_load %arg17[%get3A_347, %get3A_348] {strides = array<i32>} : memref<40x128xf32, #tpu.memory_space<vmem>>, vector<1x16xf32>,
          %get3A_350 = vector.shape_cast %get3A_349 : vector<1x16xf32> to vector<16xf32>
          %add3A_351 = arith.addf %add3A_346, %get3A_350 : vector<16xf32>
          %max3A_352 = arith.constant 0.000000e+00 : f32
          %max3A_353 = vector.broadcast %max3A_352 : f32 to vector<16xf32>
          %max3A_354 = arith.maximumf %add3A_351, %max3A_353 : vector<16xf32>
          %swap3A_355 = arith.index_cast %scan3A_207 : i32 to index
          %swap3A_356 = arith.constant 96 : index
          %swap3A_357 = tpu.vector_load %arg18[%swap3A_355, %swap3A_356] {strides = array<i32>} : memref<40x128xf32, #tpu.memory_space<vmem>>, vector<1x16xf32>,
          %swap3A_358 = vector.shape_cast %swap3A_357 : vector<1x16xf32> to vector<16xf32>
          %swap3A_359 = vector.shape_cast %max3A_354 : vector<16xf32> to vector<1x16xf32>
          tpu.vector_store %arg18[%swap3A_355, %swap3A_356], %swap3A_359 {strides = array<i32>} : memref<40x128xf32, #tpu.memory_space<vmem>>, vector<1x16xf32>,
          %get3A_360 = arith.index_cast %scan3A_207 : i32 to index
          %get3A_361 = arith.constant 112 : index
          %get3A_362 = tpu.vector_load %arg13[%get3A_360, %get3A_361] {strides = array<i32>} : memref<40x128xf32, #tpu.memory_space<vmem>>, vector<1x16xf32>,
          %get3A_363 = vector.shape_cast %get3A_362 : vector<1x16xf32> to vector<16xf32>
          %get3A_364 = arith.index_cast %scan3A_207 : i32 to index
          %get3A_365 = arith.constant 112 : index
          %get3A_366 = tpu.vector_load %arg15[%get3A_364, %get3A_365] {strides = array<i32>} : memref<40x128xf32, #tpu.memory_space<vmem>>, vector<1x16xf32>,
          %get3A_367 = vector.shape_cast %get3A_366 : vector<1x16xf32> to vector<16xf32>
          %add3A_368 = arith.addf %get3A_363, %get3A_367 : vector<16xf32>
          %get3A_369 = arith.index_cast %scan3A_207 : i32 to index
          %get3A_370 = arith.constant 112 : index
          %get3A_371 = tpu.vector_load %arg17[%get3A_369, %get3A_370] {strides = array<i32>} : memref<40x128xf32, #tpu.memory_space<vmem>>, vector<1x16xf32>,
          %get3A_372 = vector.shape_cast %get3A_371 : vector<1x16xf32> to vector<16xf32>
          %add3A_373 = arith.addf %add3A_368, %get3A_372 : vector<16xf32>
          %max3A_374 = arith.constant 0.000000e+00 : f32
          %max3A_375 = vector.broadcast %max3A_374 : f32 to vector<16xf32>
          %max3A_376 = arith.maximumf %add3A_373, %max3A_375 : vector<16xf32>
          %swap3A_377 = arith.index_cast %scan3A_207 : i32 to index
          %swap3A_378 = arith.constant 112 : index
          %swap3A_379 = tpu.vector_load %arg18[%swap3A_377, %swap3A_378] {strides = array<i32>} : memref<40x128xf32, #tpu.memory_space<vmem>>, vector<1x16xf32>,
          %swap3A_380 = vector.shape_cast %swap3A_379 : vector<1x16xf32> to vector<16xf32>
          %swap3A_381 = vector.shape_cast %max3A_376 : vector<16xf32> to vector<1x16xf32>
          tpu.vector_store %arg18[%swap3A_377, %swap3A_378], %swap3A_381 {strides = array<i32>} : memref<40x128xf32, #tpu.memory_space<vmem>>, vector<1x16xf32>,
          %scan3A_382 = arith.constant 0 : i32
          scf.yield %scan3A_382 : i32
        }
        %scan3A_203 = arith.constant 40 : i32
        %add3A_204 = arith.constant 1 : i32
        %add3A_205 = arith.addi %mul3A_123, %add3A_204 : i32
        "tpu.region"() ({
          %run_scoped3A = tpu.sem_alloc : memref<!tpu.dma_semaphore, #tpu.memory_space<semaphore_mem>>
          %dma_start3A_207 = arith.constant 0 : i32
          %dma_start3A_208 = tpu.memref_slice %arg11[%add3A_205, %dma_start3A_207] : memref<8x40xi32, #tpu.memory_space<vmem>> -> memref<1x40xi32, #tpu.memory_space<vmem>>
          %dma_start3A_209 = tpu.memref_squeeze %dma_start3A_208 : memref<1x40xi32, #tpu.memory_space<vmem>> -> memref<40xi32, #tpu.memory_space<vmem>>
          %dma_start3A_210 = arith.constant 0 : i32
          %dma_start3A_211 = arith.constant 0 : i32
          %dma_start3A_212 = tpu.memref_slice %arg19[%dma_start3A_210, %dma_start3A_211] : memref<10240x128xf32, #tpu.memory_space<vmem_shared>> -> memref<10240x128xf32, #tpu.memory_space<vmem_shared>>
          tpu.enqueue_indirect_dma source(%arg18 : memref<40x128xf32, #tpu.memory_space<vmem>>) target(%dma_start3A_212 : memref<10240x128xf32, #tpu.memory_space<vmem_shared>>) offsets(%dma_start3A_209 : memref<40xi32, #tpu.memory_space<vmem>>) semaphore(%run_scoped3A : memref<!tpu.dma_semaphore, #tpu.memory_space<semaphore_mem>>) {add = true}
          %dma_wait3A_213 = arith.constant 0 : i32
          %dma_wait3A_214 = tpu.memref_slice %arg11[%add3A_205, %dma_wait3A_213] : memref<8x40xi32, #tpu.memory_space<vmem>> -> memref<1x40xi32, #tpu.memory_space<vmem>>
          %dma_wait3A_215 = tpu.memref_squeeze %dma_wait3A_214 : memref<1x40xi32, #tpu.memory_space<vmem>> -> memref<40xi32, #tpu.memory_space<vmem>>
          %dma_wait3A_216 = arith.constant 0 : i32
          %dma_wait3A_217 = arith.constant 0 : i32
          %dma_wait3A_218 = tpu.memref_slice %arg19[%dma_wait3A_216, %dma_wait3A_217] : memref<10240x128xf32, #tpu.memory_space<vmem_shared>> -> memref<10240x128xf32, #tpu.memory_space<vmem_shared>>
          tpu.wait_indirect_dma semaphore(%run_scoped3A : memref<!tpu.dma_semaphore, #tpu.memory_space<semaphore_mem>>) src(%arg18 : memref<40x128xf32, #tpu.memory_space<vmem>>) dst(%dma_wait3A_218 : memref<10240x128xf32, #tpu.memory_space<vmem_shared>>)
          tpu.yield
        }) : () -> ()
        %scan3A_206 = arith.constant 0 : i32
        scf.yield %scan3A_206 : i32
      }
      %scan3A_118 = arith.constant 4 : i32
      %scan3A_119 = arith.constant 0 : i32
      scf.yield %scan3A_119 : i32
    }
    %scan3A_79 = arith.constant 16 : i32
    %barrier3A_80 = arith.constant 0 : index
    tpu.barrier barrier_id(%barrier3A_80)
    %mul3A_81 = arith.constant 640 : i32
    %mul3A_82 = arith.muli %arg1, %mul3A_81 : i32
    %eq3A = arith.constant 0 : i32
    %eq3A_83 = arith.cmpi eq, %arg0, %eq3A : i32
    %convert_element_type3A = arith.extui %eq3A_83 : i1 to i32
    %cond3A = arith.constant 0 : i32
    %cond3A_84 = arith.cmpi ne, %convert_element_type3A, %cond3A : i32
    scf.if %cond3A_84 {
      %run_scoped3A = arith.constant 0 : i32
      "tpu.region"() ({
        %run_scoped3A_90 = tpu.sem_alloc : memref<!tpu.dma_semaphore, #tpu.memory_space<semaphore_mem>>
        %dma_start3A = arith.constant 0 : i32
        %dma_start3A_91 = tpu.memref_slice %arg8[%run_scoped3A, %mul3A_82, %dma_start3A] : memref<2x10240x128xf32, #tpu.memory_space<hbm>> -> memref<1x640x128xf32, #tpu.memory_space<hbm>>
        %dma_start3A_92 = tpu.memref_squeeze %dma_start3A_91 : memref<1x640x128xf32, #tpu.memory_space<hbm>> -> memref<640x128xf32, #tpu.memory_space<hbm>>
        %dma_start3A_93 = arith.constant 0 : i32
        %dma_start3A_94 = tpu.memref_slice %arg19[%mul3A_82, %dma_start3A_93] : memref<10240x128xf32, #tpu.memory_space<vmem_shared>> -> memref<640x128xf32, #tpu.memory_space<vmem_shared>>
        tpu.enqueue_dma source(%dma_start3A_94 : memref<640x128xf32, #tpu.memory_space<vmem_shared>>) target(%dma_start3A_92 : memref<640x128xf32, #tpu.memory_space<hbm>>) target_semaphore(%run_scoped3A_90 : memref<!tpu.dma_semaphore, #tpu.memory_space<semaphore_mem>>)
        %dma_wait3A = arith.constant 0 : i32
        %dma_wait3A_95 = tpu.memref_slice %arg8[%run_scoped3A, %mul3A_82, %dma_wait3A] : memref<2x10240x128xf32, #tpu.memory_space<hbm>> -> memref<1x640x128xf32, #tpu.memory_space<hbm>>
        %dma_wait3A_96 = tpu.memref_squeeze %dma_wait3A_95 : memref<1x640x128xf32, #tpu.memory_space<hbm>> -> memref<640x128xf32, #tpu.memory_space<hbm>>
        %dma_wait3A_97 = arith.constant 0 : i32
        %dma_wait3A_98 = tpu.memref_slice %arg19[%mul3A_82, %dma_wait3A_97] : memref<10240x128xf32, #tpu.memory_space<vmem_shared>> -> memref<640x128xf32, #tpu.memory_space<vmem_shared>>
        tpu.wait_dma2 semaphore(%run_scoped3A_90 : memref<!tpu.dma_semaphore, #tpu.memory_space<semaphore_mem>>) src(%dma_wait3A_98 : memref<640x128xf32, #tpu.memory_space<vmem_shared>>) dst(%dma_wait3A_96 : memref<640x128xf32, #tpu.memory_space<hbm>>)
        tpu.yield
      }) : () -> ()
    } else {
    }
    %eq3A_85 = arith.constant 1 : i32
    %eq3A_86 = arith.cmpi eq, %arg0, %eq3A_85 : i32
    %convert_element_type3A_87 = arith.extui %eq3A_86 : i1 to i32
    %cond3A_88 = arith.constant 0 : i32
    %cond3A_89 = arith.cmpi ne, %convert_element_type3A_87, %cond3A_88 : i32
    scf.if %cond3A_89 {
      %run_scoped3A = arith.constant 1 : i32
      "tpu.region"() ({
        %run_scoped3A_90 = tpu.sem_alloc : memref<!tpu.dma_semaphore, #tpu.memory_space<semaphore_mem>>
        %dma_start3A = arith.constant 0 : i32
        %dma_start3A_91 = tpu.memref_slice %arg8[%run_scoped3A, %mul3A_82, %dma_start3A] : memref<2x10240x128xf32, #tpu.memory_space<hbm>> -> memref<1x640x128xf32, #tpu.memory_space<hbm>>
        %dma_start3A_92 = tpu.memref_squeeze %dma_start3A_91 : memref<1x640x128xf32, #tpu.memory_space<hbm>> -> memref<640x128xf32, #tpu.memory_space<hbm>>
        %dma_start3A_93 = arith.constant 0 : i32
        %dma_start3A_94 = tpu.memref_slice %arg19[%mul3A_82, %dma_start3A_93] : memref<10240x128xf32, #tpu.memory_space<vmem_shared>> -> memref<640x128xf32, #tpu.memory_space<vmem_shared>>
        tpu.enqueue_dma source(%dma_start3A_94 : memref<640x128xf32, #tpu.memory_space<vmem_shared>>) target(%dma_start3A_92 : memref<640x128xf32, #tpu.memory_space<hbm>>) target_semaphore(%run_scoped3A_90 : memref<!tpu.dma_semaphore, #tpu.memory_space<semaphore_mem>>)
        %dma_wait3A = arith.constant 0 : i32
        %dma_wait3A_95 = tpu.memref_slice %arg8[%run_scoped3A, %mul3A_82, %dma_wait3A] : memref<2x10240x128xf32, #tpu.memory_space<hbm>> -> memref<1x640x128xf32, #tpu.memory_space<hbm>>
        %dma_wait3A_96 = tpu.memref_squeeze %dma_wait3A_95 : memref<1x640x128xf32, #tpu.memory_space<hbm>> -> memref<640x128xf32, #tpu.memory_space<hbm>>
        %dma_wait3A_97 = arith.constant 0 : i32
        %dma_wait3A_98 = tpu.memref_slice %arg19[%mul3A_82, %dma_wait3A_97] : memref<10240x128xf32, #tpu.memory_space<vmem_shared>> -> memref<640x128xf32, #tpu.memory_space<vmem_shared>>
        tpu.wait_dma2 semaphore(%run_scoped3A_90 : memref<!tpu.dma_semaphore, #tpu.memory_space<semaphore_mem>>) src(%dma_wait3A_98 : memref<640x128xf32, #tpu.memory_space<vmem_shared>>) dst(%dma_wait3A_96 : memref<640x128xf32, #tpu.memory_space<hbm>>)
        tpu.yield
      }) : () -> ()
    } else {
    }
    return
  }
}

module attributes {stable_mosaic.version = 14 : i64} {
  func.func @_node_mm_body(%arg0: i32, %arg1: memref<1000x256xf32, #tpu.memory_space<vmem>>, %arg2: memref<256x128xf32, #tpu.memory_space<vmem>>, %arg3: memref<256x128xf32, #tpu.memory_space<vmem>>, %arg4: memref<1000x128xf32, #tpu.memory_space<vmem>>, %arg5: memref<1000x128xf32, #tpu.memory_space<vmem>>) attributes {dimension_semantics = [#tpu.dimension_semantics<arbitrary>], iteration_bounds = array<i64: 10>, scalar_prefetch = 0 : i64, scratch_operands = 0 : i64, tpu.core_type = #tpu.core_type<tc>, window_params = [{transform_indices = @transform_0, window_bounds = array<i64: 1000, 256>}, {pipeline_mode = #tpu.pipeline_mode<synchronous>, transform_indices = @transform_1, window_bounds = array<i64: 256, 128>}, {pipeline_mode = #tpu.pipeline_mode<synchronous>, transform_indices = @transform_2, window_bounds = array<i64: 256, 128>}, {transform_indices = @transform_3, window_bounds = array<i64: 1000, 128>}, {transform_indices = @transform_4, window_bounds = array<i64: 1000, 128>}]} {
    %get3A = arith.constant 0 : index
    %get3A_0 = arith.constant 0 : index
    %get3A_1 = vector.load %arg1[%get3A, %get3A_0] : memref<1000x256xf32, #tpu.memory_space<vmem>>, vector<1000x256xf32>
    %get3A_2 = arith.constant 0 : index
    %get3A_3 = arith.constant 0 : index
    %get3A_4 = vector.load %arg2[%get3A_2, %get3A_3] : memref<256x128xf32, #tpu.memory_space<vmem>>, vector<256x128xf32>
    %dot_general3A = arith.constant dense<0.000000e+00> : vector<1000x128xf32>
    %dot_general3A_5 = tpu.matmul %get3A_1, %get3A_4, %dot_general3A {dimension_numbers = #tpu.dot_dimension_numbers<[1], [0], [0], [1], [0, 0, 1, 1], [], []>, transpose_lhs_hint = false} : vector<1000x256xf32>, vector<256x128xf32>, vector<1000x128xf32> -> vector<1000x128xf32>
    %swap3A = arith.constant 0 : index
    %swap3A_6 = arith.constant 0 : index
    %swap3A_7 = vector.load %arg4[%swap3A, %swap3A_6] : memref<1000x128xf32, #tpu.memory_space<vmem>>, vector<1000x128xf32>
    tpu.vector_store %arg4[%swap3A, %swap3A_6], %dot_general3A_5 {strides = array<i32>} : memref<1000x128xf32, #tpu.memory_space<vmem>>, vector<1000x128xf32>,
    %get3A_8 = arith.constant 0 : index
    %get3A_9 = arith.constant 0 : index
    %get3A_10 = vector.load %arg3[%get3A_8, %get3A_9] : memref<256x128xf32, #tpu.memory_space<vmem>>, vector<256x128xf32>
    %dot_general3A_11 = arith.constant dense<0.000000e+00> : vector<1000x128xf32>
    %dot_general3A_12 = tpu.matmul %get3A_1, %get3A_10, %dot_general3A_11 {dimension_numbers = #tpu.dot_dimension_numbers<[1], [0], [0], [1], [0, 0, 1, 1], [], []>, transpose_lhs_hint = false} : vector<1000x256xf32>, vector<256x128xf32>, vector<1000x128xf32> -> vector<1000x128xf32>
    %swap3A_13 = arith.constant 0 : index
    %swap3A_14 = arith.constant 0 : index
    %swap3A_15 = vector.load %arg5[%swap3A_13, %swap3A_14] : memref<1000x128xf32, #tpu.memory_space<vmem>>, vector<1000x128xf32>
    tpu.vector_store %arg5[%swap3A_13, %swap3A_14], %dot_general3A_12 {strides = array<i32>} : memref<1000x128xf32, #tpu.memory_space<vmem>>, vector<1000x128xf32>,
    return
  }
  func.func @transform_0(%arg0: i32) -> (i32, i32) {
    %c0_i32 = arith.constant 0 : i32
    %c0_i32_0 = arith.constant 0 : i32
    return %arg0, %c0_i32 : i32, i32
  }
  func.func @transform_1(%arg0: i32) -> (i32, i32) {
    %c0_i32 = arith.constant 0 : i32
    %c0_i32_0 = arith.constant 0 : i32
    %c0_i32_1 = arith.constant 0 : i32
    return %c0_i32, %c0_i32_0 : i32, i32
  }
  func.func @transform_2(%arg0: i32) -> (i32, i32) {
    %c0_i32 = arith.constant 0 : i32
    %c0_i32_0 = arith.constant 0 : i32
    %c0_i32_1 = arith.constant 0 : i32
    return %c0_i32, %c0_i32_0 : i32, i32
  }
  func.func @transform_3(%arg0: i32) -> (i32, i32) {
    %c0_i32 = arith.constant 0 : i32
    %c0_i32_0 = arith.constant 0 : i32
    return %arg0, %c0_i32 : i32, i32
  }
  func.func @transform_4(%arg0: i32) -> (i32, i32) {
    %c0_i32 = arith.constant 0 : i32
    %c0_i32_0 = arith.constant 0 : i32
    return %arg0, %c0_i32 : i32, i32
  }
}

module attributes {stable_mosaic.version = 14 : i64} {
  func.func @_edge_mm_body(%arg0: i32, %arg1: memref<2000x128xf32, #tpu.memory_space<vmem>>, %arg2: memref<128x128xf32, #tpu.memory_space<vmem>>, %arg3: memref<128xf32, #tpu.memory_space<vmem>>, %arg4: memref<2000x128xf32, #tpu.memory_space<vmem>>) attributes {dimension_semantics = [#tpu.dimension_semantics<arbitrary>], iteration_bounds = array<i64: 80>, scalar_prefetch = 0 : i64, scratch_operands = 0 : i64, tpu.core_type = #tpu.core_type<tc>, window_params = [{transform_indices = @transform_0, window_bounds = array<i64: 2000, 128>}, {pipeline_mode = #tpu.pipeline_mode<synchronous>, transform_indices = @transform_1, window_bounds = array<i64: 128, 128>}, {pipeline_mode = #tpu.pipeline_mode<synchronous>, transform_indices = @transform_2, window_bounds = array<i64: 128>}, {transform_indices = @transform_3, window_bounds = array<i64: 2000, 128>}]} {
    %get3A = arith.constant 0 : index
    %get3A_0 = arith.constant 0 : index
    %get3A_1 = vector.load %arg1[%get3A, %get3A_0] : memref<2000x128xf32, #tpu.memory_space<vmem>>, vector<2000x128xf32>
    %get3A_2 = arith.constant 0 : index
    %get3A_3 = arith.constant 0 : index
    %get3A_4 = vector.load %arg2[%get3A_2, %get3A_3] : memref<128x128xf32, #tpu.memory_space<vmem>>, vector<128x128xf32>
    %dot_general3A = arith.constant dense<0.000000e+00> : vector<2000x128xf32>
    %dot_general3A_5 = tpu.matmul %get3A_1, %get3A_4, %dot_general3A {dimension_numbers = #tpu.dot_dimension_numbers<[1], [0], [0], [1], [0, 0, 1, 1], [], []>, transpose_lhs_hint = false} : vector<2000x128xf32>, vector<128x128xf32>, vector<2000x128xf32> -> vector<2000x128xf32>
    %get3A_6 = arith.constant 0 : index
    %get3A_7 = vector.load %arg3[%get3A_6] : memref<128xf32, #tpu.memory_space<vmem>>, vector<128xf32>
    %broadcast_in_dim3A = vector.shape_cast %get3A_7 : vector<128xf32> to vector<1x128xf32>
    %add3A = vector.broadcast %broadcast_in_dim3A : vector<1x128xf32> to vector<2000x128xf32>
    %add3A_8 = arith.addf %dot_general3A_5, %add3A : vector<2000x128xf32>
    %swap3A = arith.constant 0 : index
    %swap3A_9 = arith.constant 0 : index
    %swap3A_10 = vector.load %arg4[%swap3A, %swap3A_9] : memref<2000x128xf32, #tpu.memory_space<vmem>>, vector<2000x128xf32>
    tpu.vector_store %arg4[%swap3A, %swap3A_9], %add3A_8 {strides = array<i32>} : memref<2000x128xf32, #tpu.memory_space<vmem>>, vector<2000x128xf32>,
    return
  }
  func.func @transform_0(%arg0: i32) -> (i32, i32) {
    %c0_i32 = arith.constant 0 : i32
    %c0_i32_0 = arith.constant 0 : i32
    return %arg0, %c0_i32 : i32, i32
  }
  func.func @transform_1(%arg0: i32) -> (i32, i32) {
    %c0_i32 = arith.constant 0 : i32
    %c0_i32_0 = arith.constant 0 : i32
    %c0_i32_1 = arith.constant 0 : i32
    return %c0_i32, %c0_i32_0 : i32, i32
  }
  func.func @transform_2(%arg0: i32) -> i32 {
    %c0_i32 = arith.constant 0 : i32
    %c0_i32_0 = arith.constant 0 : i32
    return %c0_i32 : i32
  }
  func.func @transform_3(%arg0: i32) -> (i32, i32) {
    %c0_i32 = arith.constant 0 : i32
    %c0_i32_0 = arith.constant 0 : i32
    return %arg0, %c0_i32 : i32, i32
  }
}

module attributes {stable_mosaic.version = 14 : i64} {
  func.func @_update_body(%arg0: i32, %arg1: memref<2x1000x128xf32, #tpu.memory_space<vmem>>, %arg2: memref<1000x128xf32, #tpu.memory_space<vmem>>, %arg3: memref<128x128xf32, #tpu.memory_space<vmem>>, %arg4: memref<128x128xf32, #tpu.memory_space<vmem>>, %arg5: memref<128x128xf32, #tpu.memory_space<vmem>>, %arg6: memref<128xf32, #tpu.memory_space<vmem>>, %arg7: memref<128x128xf32, #tpu.memory_space<vmem>>, %arg8: memref<128xf32, #tpu.memory_space<vmem>>, %arg9: memref<1000x128xf32, #tpu.memory_space<vmem>>) attributes {dimension_semantics = [#tpu.dimension_semantics<arbitrary>], iteration_bounds = array<i64: 10>, scalar_prefetch = 0 : i64, scratch_operands = 0 : i64, tpu.core_type = #tpu.core_type<tc>, window_params = [{transform_indices = @transform_0, window_bounds = array<i64: 2, 1000, 128>}, {transform_indices = @transform_1, window_bounds = array<i64: 1000, 128>}, {pipeline_mode = #tpu.pipeline_mode<synchronous>, transform_indices = @transform_2, window_bounds = array<i64: 128, 128>}, {pipeline_mode = #tpu.pipeline_mode<synchronous>, transform_indices = @transform_3, window_bounds = array<i64: 128, 128>}, {pipeline_mode = #tpu.pipeline_mode<synchronous>, transform_indices = @transform_4, window_bounds = array<i64: 128, 128>}, {pipeline_mode = #tpu.pipeline_mode<synchronous>, transform_indices = @transform_5, window_bounds = array<i64: 128>}, {pipeline_mode = #tpu.pipeline_mode<synchronous>, transform_indices = @transform_6, window_bounds = array<i64: 128, 128>}, {pipeline_mode = #tpu.pipeline_mode<synchronous>, transform_indices = @transform_7, window_bounds = array<i64: 128>}, {transform_indices = @transform_8, window_bounds = array<i64: 1000, 128>}]} {
    %get3A = arith.constant 0 : index
    %get3A_0 = arith.constant 0 : index
    %get3A_1 = arith.constant 0 : index
    %get3A_2 = vector.load %arg1[%get3A, %get3A_0, %get3A_1] : memref<2x1000x128xf32, #tpu.memory_space<vmem>>, vector<1x1000x128xf32>
    %get3A_3 = vector.shape_cast %get3A_2 : vector<1x1000x128xf32> to vector<1000x128xf32>
    %get3A_4 = arith.constant 1 : index
    %get3A_5 = arith.constant 0 : index
    %get3A_6 = arith.constant 0 : index
    %get3A_7 = vector.load %arg1[%get3A_4, %get3A_5, %get3A_6] : memref<2x1000x128xf32, #tpu.memory_space<vmem>>, vector<1x1000x128xf32>
    %get3A_8 = vector.shape_cast %get3A_7 : vector<1x1000x128xf32> to vector<1000x128xf32>
    %add3A = arith.addf %get3A_3, %get3A_8 : vector<1000x128xf32>
    %get3A_9 = arith.constant 0 : index
    %get3A_10 = arith.constant 0 : index
    %get3A_11 = vector.load %arg3[%get3A_9, %get3A_10] : memref<128x128xf32, #tpu.memory_space<vmem>>, vector<128x128xf32>
    %dot_general3A = arith.constant dense<0.000000e+00> : vector<1000x128xf32>
    %dot_general3A_12 = tpu.matmul %add3A, %get3A_11, %dot_general3A {dimension_numbers = #tpu.dot_dimension_numbers<[1], [0], [0], [1], [0, 0, 1, 1], [], []>, transpose_lhs_hint = false} : vector<1000x128xf32>, vector<128x128xf32>, vector<1000x128xf32> -> vector<1000x128xf32>
    %get3A_13 = arith.constant 0 : index
    %get3A_14 = arith.constant 0 : index
    %get3A_15 = vector.load %arg4[%get3A_13, %get3A_14] : memref<128x128xf32, #tpu.memory_space<vmem>>, vector<128x128xf32>
    %dot_general3A_16 = arith.constant dense<0.000000e+00> : vector<1000x128xf32>
    %dot_general3A_17 = tpu.matmul %dot_general3A_12, %get3A_15, %dot_general3A_16 {dimension_numbers = #tpu.dot_dimension_numbers<[1], [0], [0], [1], [0, 0, 1, 1], [], []>, transpose_lhs_hint = false} : vector<1000x128xf32>, vector<128x128xf32>, vector<1000x128xf32> -> vector<1000x128xf32>
    %get3A_18 = arith.constant 0 : index
    %get3A_19 = arith.constant 0 : index
    %get3A_20 = vector.load %arg2[%get3A_18, %get3A_19] : memref<1000x128xf32, #tpu.memory_space<vmem>>, vector<1000x128xf32>
    %get3A_21 = arith.constant 0 : index
    %get3A_22 = arith.constant 0 : index
    %get3A_23 = vector.load %arg5[%get3A_21, %get3A_22] : memref<128x128xf32, #tpu.memory_space<vmem>>, vector<128x128xf32>
    %dot_general3A_24 = arith.constant dense<0.000000e+00> : vector<1000x128xf32>
    %dot_general3A_25 = tpu.matmul %get3A_20, %get3A_23, %dot_general3A_24 {dimension_numbers = #tpu.dot_dimension_numbers<[1], [0], [0], [1], [0, 0, 1, 1], [], []>, transpose_lhs_hint = false} : vector<1000x128xf32>, vector<128x128xf32>, vector<1000x128xf32> -> vector<1000x128xf32>
    %add3A_26 = arith.addf %dot_general3A_17, %dot_general3A_25 : vector<1000x128xf32>
    %get3A_27 = arith.constant 0 : index
    %get3A_28 = vector.load %arg6[%get3A_27] : memref<128xf32, #tpu.memory_space<vmem>>, vector<128xf32>
    %broadcast_in_dim3A = vector.shape_cast %get3A_28 : vector<128xf32> to vector<1x128xf32>
    %add3A_29 = vector.broadcast %broadcast_in_dim3A : vector<1x128xf32> to vector<1000x128xf32>
    %add3A_30 = arith.addf %add3A_26, %add3A_29 : vector<1000x128xf32>
    %max3A = arith.constant 0.000000e+00 : f32
    %max3A_31 = vector.broadcast %max3A : f32 to vector<1000x128xf32>
    %max3A_32 = arith.maximumf %add3A_30, %max3A_31 : vector<1000x128xf32>
    %get3A_33 = arith.constant 0 : index
    %get3A_34 = arith.constant 0 : index
    %get3A_35 = vector.load %arg7[%get3A_33, %get3A_34] : memref<128x128xf32, #tpu.memory_space<vmem>>, vector<128x128xf32>
    %dot_general3A_36 = arith.constant dense<0.000000e+00> : vector<1000x128xf32>
    %dot_general3A_37 = tpu.matmul %max3A_32, %get3A_35, %dot_general3A_36 {dimension_numbers = #tpu.dot_dimension_numbers<[1], [0], [0], [1], [0, 0, 1, 1], [], []>, transpose_lhs_hint = false} : vector<1000x128xf32>, vector<128x128xf32>, vector<1000x128xf32> -> vector<1000x128xf32>
    %get3A_38 = arith.constant 0 : index
    %get3A_39 = vector.load %arg8[%get3A_38] : memref<128xf32, #tpu.memory_space<vmem>>, vector<128xf32>
    %broadcast_in_dim3A_40 = vector.shape_cast %get3A_39 : vector<128xf32> to vector<1x128xf32>
    %add3A_41 = vector.broadcast %broadcast_in_dim3A_40 : vector<1x128xf32> to vector<1000x128xf32>
    %add3A_42 = arith.addf %dot_general3A_37, %add3A_41 : vector<1000x128xf32>
    %swap3A = arith.constant 0 : index
    %swap3A_43 = arith.constant 0 : index
    %swap3A_44 = vector.load %arg9[%swap3A, %swap3A_43] : memref<1000x128xf32, #tpu.memory_space<vmem>>, vector<1000x128xf32>
    tpu.vector_store %arg9[%swap3A, %swap3A_43], %add3A_42 {strides = array<i32>} : memref<1000x128xf32, #tpu.memory_space<vmem>>, vector<1000x128xf32>,
    return
  }
  func.func @transform_0(%arg0: i32) -> (i32, i32, i32) {
    %c0_i32 = arith.constant 0 : i32
    %c0_i32_0 = arith.constant 0 : i32
    %c0_i32_1 = arith.constant 0 : i32
    return %c0_i32, %arg0, %c0_i32_0 : i32, i32, i32
  }
  func.func @transform_1(%arg0: i32) -> (i32, i32) {
    %c0_i32 = arith.constant 0 : i32
    %c0_i32_0 = arith.constant 0 : i32
    return %arg0, %c0_i32 : i32, i32
  }
  func.func @transform_2(%arg0: i32) -> (i32, i32) {
    %c0_i32 = arith.constant 0 : i32
    %c0_i32_0 = arith.constant 0 : i32
    %c0_i32_1 = arith.constant 0 : i32
    return %c0_i32, %c0_i32_0 : i32, i32
  }
  func.func @transform_3(%arg0: i32) -> (i32, i32) {
    %c0_i32 = arith.constant 0 : i32
    %c0_i32_0 = arith.constant 0 : i32
    %c0_i32_1 = arith.constant 0 : i32
    return %c0_i32, %c0_i32_0 : i32, i32
  }
  func.func @transform_4(%arg0: i32) -> (i32, i32) {
    %c0_i32 = arith.constant 0 : i32
    %c0_i32_0 = arith.constant 0 : i32
    %c0_i32_1 = arith.constant 0 : i32
    return %c0_i32, %c0_i32_0 : i32, i32
  }
  func.func @transform_5(%arg0: i32) -> i32 {
    %c0_i32 = arith.constant 0 : i32
    %c0_i32_0 = arith.constant 0 : i32
    return %c0_i32 : i32
  }
  func.func @transform_6(%arg0: i32) -> (i32, i32) {
    %c0_i32 = arith.constant 0 : i32
    %c0_i32_0 = arith.constant 0 : i32
    %c0_i32_1 = arith.constant 0 : i32
    return %c0_i32, %c0_i32_0 : i32, i32
  }
  func.func @transform_7(%arg0: i32) -> i32 {
    %c0_i32 = arith.constant 0 : i32
    %c0_i32_0 = arith.constant 0 : i32
    return %c0_i32 : i32
  }
  func.func @transform_8(%arg0: i32) -> (i32, i32) {
    %c0_i32 = arith.constant 0 : i32
    %c0_i32_0 = arith.constant 0 : i32
    return %arg0, %c0_i32 : i32, i32
  }
}

</mosaic_0001>

<sc_bundles>
// kernel: kernel.6.cloned.1.call-start
scs
__scs_entry_jumppad:
0x0: {  	(pc) =	sbr.rel $0x88, $3  }
0x1: {  	(tag) =	ssettag $0x0;
	lr =	simm.s32 $0x1  }
0x2: {  	[smem:$0x3F97] =	sst lr;
	_ =	strace $0xD0000000  }
0x3: {  	_ = 	snop  }
0x4: {  	_ = 	snop  }
0x5: {  	_ = 	snop  }
0x6: {  	_ = 	snop  }
0x7: {  	_ = 	snop  }
__scs_overlays_trampoline_lowered:
0x8: {  	[smem:$0x3FA6] =	sst s0  }
0x9: {  	[smem:$0x3FA7] =	sst s1  }
0xa: {  	[smem:$0x3FA8] =	sst s2  }
0xb: {  	[smem:$0x3FA9] =	sst s3  }
0xc: {  	[smem:$0x3FAA] =	sst s4  }
0xd: {  	[smem:$0x3FAB] =	sst s5  }
0xe: {  	[smem:$0x3FAC] =	sst s6  }
0xf: {  	[smem:$0x3FAD] =	sst s7  }
0x10: {  	[smem:$0x3FAE] =	sst s8  }
0x11: {  	[smem:$0x3FAF] =	sst s9;
	s0 =	simm.s32 @!p0 $0x0  }
0x12: {  	s1 =	sld [smem:$0x3F95];
	s0 =	simm.s32 @p0 $0x1  }
0x13: {  	[smem:$0x3FB0] =	sst s0;
	s0 =	simm.s32 @!p1 $0x0  }
0x14: {  	s2 =	sld [smem:$0x3F94];
	s0 =	simm.s32 @p1 $0x1  }
0x15: {  	[smem:$0x3FB1] =	sst s0;
	s0 =	simm.s32 @!p2 $0x0  }
0x16: {  	s3 =	sld [smem:$0x3FDB];
	s0 =	simm.s32 @p2 $0x1  }
0x17: {  	s4 =	simm.s32 $0x1BF5;
	[smem:$0x3FB3] =	sst s0  }
0x18: {  	s0 =	sld [smem:$0x3F96];
	_ =	swait.ge [sflag:s4], $0x0  }
0x19: {  	s7 =	sld [smem:$0x3F97]  }
0x1a: {  	s8 =	sadd.s32 $0xFFFFE003, lr  }
0x1b: {  	s9 =	sadd.s32 $0xFFFFFEF7, lr;
	s5 =	simm.s32 $0xFFFFFFFF;
	p2 =	slt.u32 s8, $0xFFFFF086  }
0x1c: {  	p1 =	slt.u32 s9, $0xF7A;
	s5 =	simm.s32 @!p2 $0x0  }
0x1d: {  	s5 =	simm.s32 @p1 $0x1;
	p0 =	seq.s32 s7, s2  }
0x1e: {  	s7 =	smul.u32 @!p0 $0xF7A, s2;
	p2 =	seq.s32 @!p0 s5, $0x0  }
0x1f: {  	s9 =	smul.u32 $0xF7A, s1;
	s8 =	simm.s32 @!p0 $0x1BF5;
	p2 =	por !p2, p0  }
0x20: {  	[sflag:s8] =	ssyncset.s32 @!p0 $0xFFFFF086;
	s6 =	sadd.s32 @!p0 s3, s7;
	s7 =	simm.s32 @!p0 $0x108  }
0x21: {  	s3 =	sadd.s32 s3, s9;
	s6 =	sadd.s32 @!p0 $0x88, s6;
	s7 =	simm.s32 @p2 $0x1082  }
0x22: {  	[simem:s7], [sflag:s8] =	dma.local @!p0 [hbm:s6], $0xF7A  }
0x23: {  	s9 =	sor.u32 $0xD0000000, s2;
	s6 =	simm.s32 $0x108;
	_ =	swait.ge @!p0 [sflag:s8], $0x0  }
0x24: {  	s3 =	sadd.s32 $0x88, s3;
	s6 =	simm.s32 @!p1 $0x1082;
	[sflag:s4] =	ssyncset.s32 $0xFFFFF086  }
0x25: {  	[simem:s6], [sflag:s4] =	dma.local [hbm:s3], $0xF7A  }
0x26: {  	[smem:$0x3F97] =	sst s1;
	(tag) =	ssettag s2;
	_ =	strace s9  }
0x27: {  	s1 =	sld [smem:$0x3FA7]  }
0x28: {  	s2 =	sld [smem:$0x3FA8]  }
0x29: {  	s4 =	sld [smem:$0x3FAA]  }
0x2a: {  	p0 =	seq.s32 s5, $0x0;
	s5 =	sld [smem:$0x3FAB]  }
0x2b: {  	s6 =	sld [smem:$0x3FAC]  }
0x2c: {  	s7 =	sld [smem:$0x3FAD]  }
0x2d: {  	s3 =	simm.s32 $0x108;
	s8 =	sld [smem:$0x3FAE]  }
0x2e: {  	s3 =	simm.s32 @!p0 $0x1082;
	s9 =	sld [smem:$0x3FAF]  }
0x2f: {  	lr =	sadd.s32 s0, s3;
	s0 =	sld [smem:$0x3FA6]  }
0x30: {  	s3 =	sld [smem:$0x3FA9]  }
0x31: {  	[smem:$0x3FB2] =	sst s10  }
0x32: {  	s10 =	sld [smem:$0x3FB0];
	_ =	sdelay $0x3  }
0x33: {  	p0 =	seq.s32 s10, $0x1;
	s10 =	sld [smem:$0x3FB2];
	_ =	sdelay $0x3  }
0x34: {  	[smem:$0x3FB2] =	sst s10  }
0x35: {  	s10 =	sld [smem:$0x3FB1];
	_ =	sdelay $0x3  }
0x36: {  	p1 =	seq.s32 s10, $0x1;
	s10 =	sld [smem:$0x3FB2];
	_ =	sdelay $0x3  }
0x37: {  	[smem:$0x3FB2] =	sst s10  }
0x38: {  	s10 =	sld [smem:$0x3FB3]  }
0x39: {  	_ = 	snop;
	(pc) =	sbr.ind lr, $3  }
0x3a: {  	_ = 	snop  }
0x3b: {  	_ = 	snop  }
0x3c: {  	p2 =	seq.s32 s10, $0x1;
	s10 =	sld [smem:$0x3FB2]  }
0x3d: {  	_ =	shalt  }
0x3e: {  	_ =	shalt  }
0x3f: {  	_ =	shalt  }
0x40: {  	_ =	shalt  }
0x41: {  	_ =	shalt  }
0x42: {  	_ =	shalt  }
0x43: {  	_ =	shalt  }
0x44: {  	_ =	shalt  }
0x45: {  	_ =	shalt  }
0x46: {  	_ =	shalt  }
0x47: {  	_ =	shalt  }
0x48: {  	_ =	shalt  }
0x49: {  	_ =	shalt  }
0x4a: {  	_ =	shalt  }
0x4b: {  	_ =	shalt  }
0x4c: {  	_ =	shalt  }
0x4d: {  	_ =	shalt  }
0x4e: {  	_ =	shalt  }
0x4f: {  	_ =	shalt  }
0x50: {  	_ =	shalt  }
0x51: {  	_ =	shalt  }
0x52: {  	_ =	shalt  }
0x53: {  	_ =	shalt  }
0x54: {  	_ =	shalt  }
0x55: {  	_ =	shalt  }
0x56: {  	_ =	shalt  }
0x57: {  	_ =	shalt  }
0x58: {  	_ =	shalt  }
0x59: {  	_ =	shalt  }
0x5a: {  	_ =	shalt  }
0x5b: {  	_ =	shalt  }
0x5c: {  	_ =	shalt  }
0x5d: {  	_ =	shalt  }
0x5e: {  	_ =	shalt  }
0x5f: {  	_ =	shalt  }
0x60: {  	_ =	shalt  }
0x61: {  	_ =	shalt  }
0x62: {  	_ =	shalt  }
0x63: {  	_ =	shalt  }
0x64: {  	_ =	shalt  }
0x65: {  	_ =	shalt  }
0x66: {  	_ =	shalt  }
0x67: {  	_ =	shalt  }
0x68: {  	_ =	shalt  }
0x69: {  	_ =	shalt  }
0x6a: {  	_ =	shalt  }
0x6b: {  	_ =	shalt  }
0x6c: {  	_ =	shalt  }
0x6d: {  	_ =	shalt  }
0x6e: {  	_ =	shalt  }
0x6f: {  	_ =	shalt  }
0x70: {  	_ =	shalt  }
0x71: {  	_ =	shalt  }
0x72: {  	_ =	shalt  }
0x73: {  	_ =	shalt  }
0x74: {  	_ =	shalt  }
0x75: {  	_ =	shalt  }
0x76: {  	_ =	shalt  }
0x77: {  	_ =	shalt  }
0x78: {  	_ =	shalt  }
0x79: {  	_ =	shalt  }
0x7a: {  	_ =	shalt  }
0x7b: {  	_ =	shalt  }
0x7c: {  	_ =	shalt  }
0x7d: {  	_ =	shalt  }
0x7e: {  	_ =	shalt  }
0x7f: {  	_ =	shalt  }
0x80: {  	_ =	shalt  }
0x81: {  	_ =	shalt  }
0x82: {  	_ =	shalt  }
0x83: {  	_ =	shalt  }
0x84: {  	_ =	shalt  }
0x85: {  	_ =	shalt  }
0x86: {  	_ =	shalt  }
0x87: {  	_ =	shalt  }
.Lfunc_end0:
.L_simem_size_0:
called_computation_lowered:
.L_overlay_start_0:
0x88: {  	s2 =	sld [smem:$0x3FD9]  }
0x89: {  	s3 =	sld [smem:$0x3FFE];
	_ =	sdelay $0x1  }
0x8a: {  	s1 =	srdreg.scid  }
0x8b: {  	s0 =	sand.u32 $0x1, s1  }
0x8c: {  	s14 =	sshll.u32 s0, $0xA;
	s2 =	sadd.s32 s3, s2  }
0x8d: {  	s2 =	sadd.s32 s2, s14  }
0x8e: {  	[smem:$0x3FBE] =	sst s2  }
0x8f: {  	_ = 	snop  }
0x90: {  	s2 =	sld [smem:$0x3FD0];
	_ =	sdelay $0x2  }
0x91: {  	s15 =	simm.s32 $0xA;
	s4 =	simm.s32 $0x10  }
0x92: {  	[smem:s4], [sflag:s15] =	dma.local [hbm:s2], $0x1  }
0x93: {  	_ =	swait.eq [sflag:s15], $0x1  }
0x94: {  	[sflag:s15] =	ssyncset.done $0x0  }
0x95: {  	s16 =	sld [smem:$0x10];
	[sflag:s15] =	ssyncadd.s32 $0xFFFFFFFF  }
0x96: {  	s17 =	sld [smem:$0x11];
	(tm) =	ssettm $0x1  }
0x97: {  	s18 =	sld [smem:$0x3FFB];
	_ =	sdelay $0x3  }
0x98: {  	_ =	strace s18  }
0x99: {  	s4 =	sld [smem:$0x3FFC];
	_ =	sdelay $0x3  }
0x9a: {  	_ =	strace s4  }
0x9b: {  	s4 =	sld [smem:$0x3FFD];
	_ =	sdelay $0x3  }
0x9c: {  	_ =	strace s4  }
0x9d: {  	_ =	strace $0x8FFFFFFF  }
0x9e: {  	s19 =	sld [smem:$0x3FDB];
	_ =	sdelay $0x1  }
0x9f: {  	s5 =	simm.s32 $_scs_section_size  }
0xa0: {  	s6 =	simm.s32 $_size__tile_overlayer_lowered;
	s7 =	simm.s32 $_tile_overlayer_lowered  }
0xa1: {  	s22 =	simm.s32 $0x1BFF;
	s21 =	sshll.u32 s7, $0x1;
	s4 =	sadd.s32 s5, s19  }
0xa2: {  	s8 =	simm.s32 $0x0;
	s20 =	sshll.u32 s6, $0x1;
	s6 =	sadd.s32 s21, s4  }
0xa3: {  	[timem:s8], [sflag:s22] =	dma.local [hbm:s6], s20  }
0xa4: {  	_ =	swait.ge [sflag:s22], s20  }
0xa5: {  	s5 =	ssub.s32 $0x0, s20;
	[sflag:s22] =	ssyncset.done $0x0  }
0xa6: {  	[sflag:s22] =	ssyncadd.s32 s5;
	_ =	sdelay $0x1  }
0xa7: {  	s23 =	simm.s32 $0x1B8B  }
0xa8: {  	_ =	swait.ge [sflag:s23], $0x1  }
0xa9: {  	[sflag:s23] =	ssyncset.done $0x0  }
0xaa: {  	s25 =	simm.s32 $0x1B8E;
	s24 =	sld [smem:$0x3FFE];
	[sflag:s23] =	ssyncadd.s32 $0xFFFFFFFF  }
0xab: {  	s26 =	simm.s32 $execute0_lowered;
	[smem:$0x3FD2] =	sst s25  }
0xac: {  	s6 =	sshll.u32 s26, $0x1;
	_ =	strace $0x80000046;
	[dreg:$0x1] =	wrdreg $0xFFFFFFFF  }
0xad: {  	s28 =	simm.s32 $_size_execute0_lowered;
	s4 =	sadd.s32 s4, s6;
	[dreg:$0x0] =	wrdreg $0x0  }
0xae: {  	s6 =	sshll.u32 s28, $0x1;
	[dreg:$0x2] =	wrdreg s4  }
0xaf: {  	[dreg:$0x3] =	wrdreg s6  }
0xb0: {  	[dreg:$0x4] =	wrdreg $0xC0  }
0xb1: {  	_ =	task [dreg:s8], $0x5FFFF  }
0xb2: {  	[dreg:$0x1] =	wrdreg $0xFFFFFFFF  }
0xb3: {  	[dreg:$0x0] =	wrdreg $0x60  }
0xb4: {  	[dreg:$0x2] =	wrdreg s16  }
0xb5: {  	[dreg:$0x3] =	wrdreg s24  }
0xb6: {  	[dreg:$0x4] =	wrdreg s17  }
0xb7: {  	[dreg:$0x5] =	wrdreg $0x98000  }
0xb8: {  	[dreg:$0x6] =	wrdreg $0x9  }
0xb9: {  	_ =	task.clear_ibuf [dreg:s8], $0x7FFFF;
	_ =	strace $0x90000046  }
0xba: {  	s29 =	simm.s32 $0x9;
	_ =	strace $0x80000048  }
0xbb: {  	_ =	swait.ge [sflag:s29], $0x1  }
0xbc: {  	[sflag:s29] =	ssyncadd.s32 $0xFFFFFFFF  }
0xbd: {  	_ =	strace $0x90000048  }
0xbe: {  	_ =	sfence  }
0xbf: {  	s30 =	sld [smem:$0x0];
	_ =	sdelay $0x2  }
0xc0: {  	s31 =	sshll.u32 s1, $0xD;
	s1 =	sshrl.u32 s1, $0x2  }
0xc1: {  	s3 =	sand.u32 $0x4000, s31;
	s1 =	sadd.s32 s1, s30  }
0xc2: {  	s0 =	sor.u32 s3, s0;
	s1 =	sshll.u32 s1, $0x11  }
0xc3: {  	s0 =	sor.u32 s1, s0  }
0xc4: {  	s0 =	sadd.s32 $0x8F2B, s0  }
0xc5: {  	[sflag:s0] =	ssyncadd.remote.s32 $0x1  }
0xc6: {  	_ =	sfence.sel $0xFFFF  }
0xc7: {  	[dreg:$0x0] =	wrdreg $0xFFFFFFFF;
	(pc) =	sbr.abs _section_cstart, $3  }
0xc8: {  	[dreg:$0x1] =	wrdreg $0xFFFFFFFF  }
0xc9: {  	_ =	task.clear_ibuf [dreg:s8], $0x2FFFF;
	_ =	strace $0x9FFFFFFF  }
0xca: {  	(tm) =	ssettm $0x7FFFFFFF  }
0xcb: {  	_ =	shalt  }
tec
execute0_lowered:
.L_overlay_start_1:
0x0: {  	(tag) =	ssettag $0x1  }
0x1: {  	s1 =	rddreg [dreg:$0x0]  }
0x2: {  	s0 =	rddreg [dreg:$0x1]  }
0x3: {  	s2 =	rddreg [dreg:$0x2]  }
0x4: {  	s3 =	rddreg [dreg:$0x3]  }
0x5: {  	s5 =	simm.s32 $0x0;
	s14 =	stileid.u32;
	s4 =	srdreg.scid  }
0x6: {  	[smem:$0x7FF] =	sst s5;
	s9 =	smul.u32 $0x14000, s14  }
0x7: {  	s6 =	sadd.s32 $0x32000, s0;
	s7 =	sadd.s32 $0x22000, s0;
	s10 =	smul.u32 $0x2800, s14  }
0x8: {  	s8 =	sadd.s32 $0x2000, s0;
	s4 =	sand.u32 $0x1, s4;
	s13 =	smul.u32 $0x50000, s14  }
0x9: {  	p0 =	seq.s32 s4, $0x1;
	s12 =	ssub.s32 $0x2, s4;
	s9 =	sshrl.u32 s9, $0x3  }
0xa: {  	s26 =	sshrl.u32 s12, $0x1;
	s28 =	sshrl.u32 s13, $0x2;
	s11 =	sadd.s32 $0x28000, s9  }
0xb: {  	s9 =	sadd.s32 $0x12000, s0;
	s12 =	ssub.s32 s12, s26;
	s10 =	smov.u32 @p0 s11  }
0xc: {  	s25 =	smax.u32 s12, $0x1;
	s0 =	sadd.s32 s10, s0;
	s10 =	sadd.s32 s28, s3  }
0xd: {  	_ =	strace $0x80000047;
	[dreg:$0x11] =	wrdreg s25;
	s13 =	sadd.s32 $0x1400, s10  }
0xe: {  	s29 =	sshll.u32 s14, $0x8;
	s14 =	sadd.s32 $0x2800, s10;
	[dreg:$0x5] =	wrdreg s13  }
0xf: {  	s15 =	sadd.s32 $0x3C00, s10;
	[dreg:$0x6] =	wrdreg s14  }
0x10: {  	s16 =	sadd.s32 $0x5000, s10;
	[dreg:$0x7] =	wrdreg s15  }
0x11: {  	s17 =	sadd.s32 $0x6400, s10;
	[dreg:$0x8] =	wrdreg s16  }
0x12: {  	s18 =	sadd.s32 $0x7800, s10;
	[dreg:$0x9] =	wrdreg s17  }
0x13: {  	s19 =	sadd.s32 $0x8C00, s10;
	[dreg:$0xa] =	wrdreg s18  }
0x14: {  	s20 =	sadd.s32 $0xA000, s10;
	[dreg:$0xb] =	wrdreg s19  }
0x15: {  	s21 =	sadd.s32 $0xB400, s10;
	[dreg:$0xc] =	wrdreg s20  }
0x16: {  	s22 =	sadd.s32 $0xC800, s10;
	[dreg:$0xd] =	wrdreg s21  }
0x17: {  	s30 =	simm.s32 $0x8400;
	s23 =	sadd.s32 $0xDC00, s10;
	[dreg:$0xe] =	wrdreg s22  }
0x18: {  	s31 =	simm.s32 $0x7;
	s24 =	sadd.s32 $0xF000, s10;
	[dreg:$0xf] =	wrdreg s23  }
0x19: {  	s4 =	sshll.u32 s4, $0x7;
	s0 =	sadd.s32 $0x59200, s0;
	[dreg:$0x10] =	wrdreg s24  }
0x1a: {  	s11 =	sor.u32 s4, s29;
	s26 =	sadd.s32 $0x10400, s10;
	[dreg:$0x12] =	wrdreg s0  }
0x1b: {  	s4 =	simm.s32 $0x800;
	s28 =	sadd.s32 $0x11800, s10;
	[dreg:$0x13] =	wrdreg s26  }
0x1c: {  	s12 =	simm.s32 $0x28;
	s29 =	sadd.s32 $0x12C00, s10;
	[dreg:$0x14] =	wrdreg s28  }
0x1d: {  	[dreg:$0x15] =	wrdreg s29;
	s0 =	simm.s32 $0x400;
	s13 =	simm.s32 $0xC00  }
0x1e: {  	s14 =	simm.s32 $0x3400;
	s15 =	simm.s32 $0x2000;
	s16 =	simm.s32 $0x4800  }
0x1f: {  	v0 =	vimm.f32 $0.0e+00;
	s17 =	simm.s32 $0x2;
	s18 =	simm.s32 $0x4;
	s19 =	simm.s32 $0x0  }
.LBB2_1:
0x20: {  	s20 =	simm.s32 $0x0;
	s21 =	simm.s32 $0x200  }
.LBB2_2:
0x21: {  	p0 =	sne.s32 s21, $0x4E00;
	[tilespmem:s20+$0x8470] =	vst v0  }
0x22: {  	[tilespmem:s20+$0x8400] =	vst v0  }
0x23: {  	[tilespmem:s20+$0x8410] =	vst v0  }
.Ltmp0:
0x24: {  	[tilespmem:s20+$0x8420] =	vst v0;
	(pc) =	sbr.rel @p0 .LBB2_2-.Ltmp0, $4  }
0x25: {  	[tilespmem:s20+$0x8430] =	vst v0  }
0x26: {  	[tilespmem:s20+$0x8440] =	vst v0  }
0x27: {  	[tilespmem:s20+$0x8450] =	vst v0  }
0x28: {  	[tilespmem:s20+$0x8460] =	vst v0;
	s20 =	sshra.s32 s21, $0x2;
	s21 =	sadd.s32 $0x200, s21  }
0x29: {  	[tilespmem:s20+$0x8470] =	vst v0  }
0x2a: {  	[tilespmem:s20+$0x8400] =	vst v0  }
0x2b: {  	[tilespmem:s20+$0x8410] =	vst v0  }
0x2c: {  	[tilespmem:s20+$0x8420] =	vst v0  }
0x2d: {  	[tilespmem:s20+$0x8430] =	vst v0  }
0x2e: {  	[tilespmem:s20+$0x8440] =	vst v0  }
0x2f: {  	[tilespmem:s20+$0x8450] =	vst v0  }
0x30: {  	[tilespmem:s20+$0x8460] =	vst v0  }
0x31: {  	[spmem:s10] =	stream.linear.scatter [tilespmem:s30], [sflag:$0x7], $0x1400, $0x38;
	[tilespmem:$0x1D800] =	vst v63  }
0x32: {  	_ =	swait.ge [sflag:s31], $0x1400  }
0x33: {  	[sflag:s31] =	ssyncset.done $0x0  }
0x34: {  	s22 =	rddreg [dreg:$0x5];
	[sflag:s31] =	ssyncadd.s32 $0xFFFFEC00  }
0x35: {  	[spmem:s22] =	stream.linear.scatter [tilespmem:s30], [sflag:$0x7], $0x1400, $0x38;
	[tilespmem:$0x1D800] =	vst v63  }
0x36: {  	_ =	swait.ge [sflag:s31], $0x1400  }
0x37: {  	[sflag:s31] =	ssyncset.done $0x0  }
0x38: {  	s23 =	rddreg [dreg:$0x6];
	[sflag:s31] =	ssyncadd.s32 $0xFFFFEC00  }
0x39: {  	[spmem:s23] =	stream.linear.scatter [tilespmem:s30], [sflag:$0x7], $0x1400, $0x38;
	[tilespmem:$0x1D800] =	vst v63  }
0x3a: {  	_ =	swait.ge [sflag:s31], $0x1400  }
0x3b: {  	[sflag:s31] =	ssyncset.done $0x0  }
0x3c: {  	s24 =	rddreg [dreg:$0x7];
	[sflag:s31] =	ssyncadd.s32 $0xFFFFEC00  }
0x3d: {  	[spmem:s24] =	stream.linear.scatter [tilespmem:s30], [sflag:$0x7], $0x1400, $0x38;
	[tilespmem:$0x1D800] =	vst v63  }
0x3e: {  	_ =	swait.ge [sflag:s31], $0x1400  }
0x3f: {  	[sflag:s31] =	ssyncset.done $0x0  }
0x40: {  	s25 =	rddreg [dreg:$0x8];
	[sflag:s31] =	ssyncadd.s32 $0xFFFFEC00  }
0x41: {  	[spmem:s25] =	stream.linear.scatter [tilespmem:s30], [sflag:$0x7], $0x1400, $0x38;
	[tilespmem:$0x1D800] =	vst v63  }
0x42: {  	_ =	swait.ge [sflag:s31], $0x1400  }
0x43: {  	[sflag:s31] =	ssyncset.done $0x0  }
0x44: {  	s26 =	rddreg [dreg:$0x9];
	[sflag:s31] =	ssyncadd.s32 $0xFFFFEC00  }
0x45: {  	[spmem:s26] =	stream.linear.scatter [tilespmem:s30], [sflag:$0x7], $0x1400, $0x38;
	[tilespmem:$0x1D800] =	vst v63  }
0x46: {  	_ =	swait.ge [sflag:s31], $0x1400  }
0x47: {  	[sflag:s31] =	ssyncset.done $0x0  }
0x48: {  	s28 =	rddreg [dreg:$0xa];
	[sflag:s31] =	ssyncadd.s32 $0xFFFFEC00  }
0x49: {  	[spmem:s28] =	stream.linear.scatter [tilespmem:s30], [sflag:$0x7], $0x1400, $0x38;
	[tilespmem:$0x1D800] =	vst v63  }
0x4a: {  	_ =	swait.ge [sflag:s31], $0x1400  }
0x4b: {  	[sflag:s31] =	ssyncset.done $0x0  }
0x4c: {  	s29 =	rddreg [dreg:$0xb];
	[sflag:s31] =	ssyncadd.s32 $0xFFFFEC00  }
0x4d: {  	[spmem:s29] =	stream.linear.scatter [tilespmem:s30], [sflag:$0x7], $0x1400, $0x38;
	[tilespmem:$0x1D800] =	vst v63  }
0x4e: {  	_ =	swait.ge [sflag:s31], $0x1400  }
0x4f: {  	[sflag:s31] =	ssyncset.done $0x0  }
0x50: {  	s21 =	rddreg [dreg:$0xc];
	[sflag:s31] =	ssyncadd.s32 $0xFFFFEC00  }
0x51: {  	[spmem:s21] =	stream.linear.scatter [tilespmem:s30], [sflag:$0x7], $0x1400, $0x38;
	[tilespmem:$0x1D800] =	vst v63  }
0x52: {  	_ =	swait.ge [sflag:s31], $0x1400  }
0x53: {  	[sflag:s31] =	ssyncset.done $0x0  }
0x54: {  	s22 =	rddreg [dreg:$0xd];
	[sflag:s31] =	ssyncadd.s32 $0xFFFFEC00  }
0x55: {  	[spmem:s22] =	stream.linear.scatter [tilespmem:s30], [sflag:$0x7], $0x1400, $0x38;
	[tilespmem:$0x1D800] =	vst v63  }
0x56: {  	_ =	swait.ge [sflag:s31], $0x1400  }
0x57: {  	[sflag:s31] =	ssyncset.done $0x0  }
0x58: {  	s23 =	rddreg [dreg:$0xe];
	[sflag:s31] =	ssyncadd.s32 $0xFFFFEC00  }
0x59: {  	[spmem:s23] =	stream.linear.scatter [tilespmem:s30], [sflag:$0x7], $0x1400, $0x38;
	[tilespmem:$0x1D800] =	vst v63  }
0x5a: {  	_ =	swait.ge [sflag:s31], $0x1400  }
0x5b: {  	[sflag:s31] =	ssyncset.done $0x0  }
0x5c: {  	s24 =	rddreg [dreg:$0xf];
	[sflag:s31] =	ssyncadd.s32 $0xFFFFEC00  }
0x5d: {  	[spmem:s24] =	stream.linear.scatter [tilespmem:s30], [sflag:$0x7], $0x1400, $0x38;
	[tilespmem:$0x1D800] =	vst v63  }
0x5e: {  	_ =	swait.ge [sflag:s31], $0x1400  }
0x5f: {  	[sflag:s31] =	ssyncset.done $0x0  }
0x60: {  	s25 =	rddreg [dreg:$0x10];
	[sflag:s31] =	ssyncadd.s32 $0xFFFFEC00  }
0x61: {  	[spmem:s25] =	stream.linear.scatter [tilespmem:s30], [sflag:$0x7], $0x1400, $0x38;
	[tilespmem:$0x1D800] =	vst v63  }
0x62: {  	_ =	swait.ge [sflag:s31], $0x1400  }
0x63: {  	[sflag:s31] =	ssyncset.done $0x0  }
0x64: {  	s26 =	rddreg [dreg:$0x13];
	[sflag:s31] =	ssyncadd.s32 $0xFFFFEC00  }
0x65: {  	[spmem:s26] =	stream.linear.scatter [tilespmem:s30], [sflag:$0x7], $0x1400, $0x38;
	[tilespmem:$0x1D800] =	vst v63  }
0x66: {  	_ =	swait.ge [sflag:s31], $0x1400  }
0x67: {  	[sflag:s31] =	ssyncset.done $0x0  }
0x68: {  	s28 =	rddreg [dreg:$0x14];
	[sflag:s31] =	ssyncadd.s32 $0xFFFFEC00  }
0x69: {  	[spmem:s28] =	stream.linear.scatter [tilespmem:s30], [sflag:$0x7], $0x1400, $0x38;
	[tilespmem:$0x1D800] =	vst v63  }
0x6a: {  	_ =	swait.ge [sflag:s31], $0x1400  }
0x6b: {  	[sflag:s31] =	ssyncset.done $0x0  }
0x6c: {  	s29 =	rddreg [dreg:$0x15];
	[sflag:s31] =	ssyncadd.s32 $0xFFFFEC00  }
0x6d: {  	[spmem:s29] =	stream.linear.scatter [tilespmem:s30], [sflag:$0x7], $0x1400, $0x38;
	[tilespmem:$0x1D800] =	vst v63  }
0x6e: {  	_ =	swait.ge [sflag:s31], $0x1400  }
0x6f: {  	[sflag:s31] =	ssyncset.done $0x0  }
0x70: {  	[sflag:s31] =	ssyncadd.s32 $0xFFFFEC00  }
0x71: {  	s20 =	simm.s32 $0x0;
	[bflag:$0x0] =	sbarrier.arrive $0xFFFF  }
.LBB2_4:
0x72: {  	s21 =	sshll.u32 s20, $0x3  }
0x73: {  	s21 =	sadd.s32 s11, s21  }
0x74: {  	s22 =	sshll.u32 s21, $0x4  }
0x75: {  	s23 =	sadd.s32 s7, s22  }
0x76: {  	[tilespmem:s5], [sflag:$0x7] =	stream.linear.gather [hbm4b:s23+s5], $0x400, $0x38;
	[tilespmem:$0x1D800] =	vst v63  }
0x77: {  	_ =	swait.ge [sflag:s31], $0x400  }
0x78: {  	[sflag:s31] =	ssyncset.done $0x0  }
0x79: {  	s29 =	sadd.s32 s8, s22;
	[sflag:s31] =	ssyncadd.s32 $0xFFFFFC00  }
0x7a: {  	[tilespmem:s0], [sflag:$0x7] =	stream.linear.gather [hbm4b:s29+s5], $0x400, $0x38;
	[tilespmem:$0x1D800] =	vst v63  }
0x7b: {  	_ =	swait.ge [sflag:s31], $0x400  }
0x7c: {  	[sflag:s31] =	ssyncset.done $0x0  }
0x7d: {  	s22 =	sadd.s32 s9, s22;
	[sflag:s31] =	ssyncadd.s32 $0xFFFFFC00  }
0x7e: {  	[tilespmem:s4], [sflag:$0x7] =	stream.linear.gather [hbm4b:s22+s5], $0x400, $0x38;
	[tilespmem:$0x1D800] =	vst v63  }
0x7f: {  	_ =	swait.ge [sflag:s31], $0x400  }
0x80: {  	[sflag:s31] =	ssyncset.done $0x0  }
0x81: {  	p0 =	sgt.u32 s21, $0xF9F;
	[sflag:s31] =	ssyncadd.s32 $0xFFFFFC00  }
0x82: {  	[tilespmem:s13], [sflag:$0x1] =	stream.indirect.gather [hbm4b:s1+s12], $0x80, s5, s12, $0xb8;
	[tilespmem:$0x1D800] =	vst v63  }
0x83: {  	s22 =	smul.u32 @!p0 $0x280, s21  }
0x84: {  	[tilespmem:s14], [sflag:$0x3] =	stream.indirect.gather [hbm4b:s6+s12], $0x80, s0, s12, $0xb8;
	[tilespmem:$0x1D800] =	vst v63  }
0x85: {  	s24 =	simm.s32 @!p0 $0x5C00;
	s23 =	simm.s32 @!p0 $0x0;
	s22 =	sadd.s32 @!p0 s2, s22  }
0x86: {  	[tilespmem:s24], [sflag:$0x5] =	stream.linear.gather @!p0 [hbm4b:s22+s23], $0x1400, $0x38;
	[tilespmem:$0x1D800] =	vst v63  }
0x87: {  	s22 =	simm.s32 $0x0  }
.LBB2_5:
0x88: {  	s23 =	sshll.u32 s22, $0x1;
	s25 =	sshll.u32 s22, $0x8  }
0x89: {  	s24 =	sadd.s32 s21, s23;
	s23 =	sor.u32 $0x80, s25  }
0x8a: {  	[tilespmem:s15], [sflag:$0x2] =	stream.indirect.gather [hbm4b:s1+s12], $0x80, s23, s12, $0xb8;
	[tilespmem:$0x1D800] =	vst v63  }
0x8b: {  	p0 =	sgt.u32 s24, $0xF9F  }
0x8c: {  	s26 =	sadd.s32 $0x480, s25;
	s28 =	smul.u32 @!p0 $0x1400, s24  }
0x8d: {  	[tilespmem:s16], [sflag:$0x4] =	stream.indirect.gather [hbm4b:s6+s12], $0x80, s26, s12, $0xb8;
	[tilespmem:$0x1D800] =	vst v63  }
0x8e: {  	s26 =	sshrl.u32 @!p0 s28, $0x3  }
0x8f: {  	s26 =	sadd.s32 @!p0 s2, s26  }
0x90: {  	s29 =	simm.s32 @!p0 $0x7000;
	s28 =	simm.s32 @!p0 $0x0;
	s26 =	sadd.s32 @!p0 $0x280, s26  }
0x91: {  	[tilespmem:s29], [sflag:$0x6] =	stream.linear.gather @!p0 [hbm4b:s26+s28], $0x1400, $0x38;
	[tilespmem:$0x1D800] =	vst v63  }
0x92: {  	s26 =	simm.s32 @!p0 $0x1  }
0x93: {  	_ =	swait.ge @!p0 [sflag:s26], $0x1400  }
0x94: {  	s28 =	simm.s32 @!p0 $0x3;
	[sflag:s26] =	ssyncset.done @!p0 $0x0  }
0x95: {  	s28 =	simm.s32 @p0 $0x1;
	[sflag:s26] =	ssyncadd.s32 @!p0 $0xFFFFEC00  }
0x96: {  	_ =	swait.ge [sflag:s28], $0x1400  }
0x97: {  	s26 =	simm.s32 @!p0 $0x5;
	[sflag:s28] =	ssyncset.done $0x0  }
0x98: {  	s26 =	simm.s32 @p0 $0x3;
	[sflag:s28] =	ssyncadd.s32 $0xFFFFEC00  }
0x99: {  	_ =	swait.ge [sflag:s26], $0x1400  }
0x9a: {  	[sflag:s26] =	ssyncset.done $0x0  }
0x9b: {  	[sflag:s26] =	ssyncadd.s32 $0xFFFFEC00;
	s26 =	simm.s32 $0x0  }
0x9c: {  	v1 =	vld [tilespmem:s26+$0xC70]  }
0x9d: {  	v2 =	vld [tilespmem:s26+$0x3470]  }
0x9e: {  	v3 =	vld [tilespmem:s26+$0xC00]  }
0x9f: {  	v4 =	vld [tilespmem:s26+$0x5C70]  }
0xa0: {  	v5 =	vld [tilespmem:s26+$0x3400]  }
0xa1: {  	v6 =	vld [tilespmem:s26+$0xC10]  }
0xa2: {  	v7 =	vld [tilespmem:s26+$0x3410]  }
0xa3: {  	v8 =	vld [tilespmem:s26+$0x3420]  }
0xa4: {  	v10 =	vld [tilespmem:s26+$0x3430]  }
0xa5: {  	v11 =	vld [tilespmem:s26+$0xC40]  }
0xa6: {  	v12 =	vld [tilespmem:s26+$0xC50]  }
0xa7: {  	v13 =	vld [tilespmem:s26+$0x3450]  }
0xa8: {  	v14 =	vld [tilespmem:s26+$0xC60];
	v1 =	vadd.f32 v2, v1  }
0xa9: {  	v15 =	vld [tilespmem:s26+$0x3460]  }
0xaa: {  	v16 =	vld [tilespmem:s26+$0x5C00];
	v1 =	vadd.f32 v4, v1  }
0xab: {  	v2 =	vld [tilespmem:s26+$0xC20]  }
0xac: {  	v4 =	vld [tilespmem:s26+$0xC30];
	v1 =	vmax.f32 v1, $0.0e+00  }
0xad: {  	[tilespmem:s26+$0x8470] =	vst v1;
	v1 =	vld [tilespmem:s26+$0x3440]  }
0xae: {  	v17 =	vld [tilespmem:s26+$0x5C10]  }
0xaf: {  	v18 =	vld [tilespmem:s26+$0x5C20]  }
0xb0: {  	v9 =	vld [tilespmem:s26+$0x5C30];
	v3 =	vadd.f32 v5, v3;
	v19 =	vadd.f32 v7, v6  }
0xb1: {  	v20 =	vadd.f32 v8, v2;
	v8 =	vld [tilespmem:s26+$0x5C40];
	v5 =	vadd.f32 v10, v4  }
0xb2: {  	v7 =	vld [tilespmem:s26+$0x5C50];
	v4 =	vadd.f32 v1, v11;
	v11 =	vadd.f32 v16, v3  }
0xb3: {  	s28 =	simm.s32 $0x80;
	v6 =	vld [tilespmem:s26+$0x5C60];
	v10 =	vadd.f32 v17, v19;
	v3 =	vadd.f32 v13, v12  }
0xb4: {  	s29 =	simm.s32 $0x400;
	v2 =	vld [tilespmem:s28+$0xC70];
	v1 =	vadd.f32 v15, v14;
	v12 =	vmax.f32 v11, $0.0e+00;
	v11 =	vadd.f32 v18, v20  }
.LBB2_6:
0xb5: {  	p1 =	sne.s32 s29, $0x4E00;
	v13 =	vld [tilespmem:s28+$0x3470];
	[tilespmem:s26+$0x8400] =	vst v12;
	v10 =	vmax.f32 v10, $0.0e+00;
	v5 =	vadd.f32 v9, v5  }
0xb6: {  	v9 =	vld [tilespmem:s28+$0xC00];
	[tilespmem:s26+$0x8410] =	vst v10;
	v10 =	vmax.f32 v11, $0.0e+00;
	v4 =	vadd.f32 v8, v4  }
0xb7: {  	v8 =	vld [tilespmem:s28+$0x5C70];
	[tilespmem:s26+$0x8420] =	vst v10;
	v5 =	vmax.f32 v5, $0.0e+00;
	v3 =	vadd.f32 v7, v3  }
0xb8: {  	v7 =	vld [tilespmem:s28+$0x3400];
	[tilespmem:s26+$0x8430] =	vst v5;
	v4 =	vmax.f32 v4, $0.0e+00;
	v1 =	vadd.f32 v6, v1  }
0xb9: {  	v5 =	vld [tilespmem:s28+$0xC10];
	[tilespmem:s26+$0x8440] =	vst v4;
	v3 =	vmax.f32 v3, $0.0e+00  }
0xba: {  	v4 =	vld [tilespmem:s28+$0x3410];
	v2 =	vadd.f32 v13, v2;
	[tilespmem:s26+$0x8450] =	vst v3;
	v1 =	vmax.f32 v1, $0.0e+00  }
0xbb: {  	v3 =	vld [tilespmem:s28+$0xC20];
	[tilespmem:s26+$0x8460] =	vst v1;
	s26 =	smov.u32 s28  }
0xbc: {  	v1 =	vld [tilespmem:s26+$0x3420];
	v2 =	vadd.f32 v8, v2  }
0xbd: {  	v6 =	vadd.f32 v7, v9;
	v7 =	vld [tilespmem:s26+$0xC30]  }
0xbe: {  	v8 =	vld [tilespmem:s26+$0x3430];
	v2 =	vmax.f32 v2, $0.0e+00  }
0xbf: {  	v10 =	vadd.f32 v4, v5;
	v4 =	vld [tilespmem:s26+$0xC40];
	[tilespmem:s26+$0x8470] =	vst v2  }
0xc0: {  	v2 =	vld [tilespmem:s26+$0x3440]  }
0xc1: {  	v11 =	vadd.f32 v1, v3;
	v1 =	vld [tilespmem:s26+$0xC50]  }
0xc2: {  	v3 =	vld [tilespmem:s26+$0x3450]  }
0xc3: {  	v5 =	vadd.f32 v8, v7;
	v7 =	vld [tilespmem:s26+$0xC60]  }
0xc4: {  	v12 =	vld [tilespmem:s26+$0x3460]  }
0xc5: {  	v13 =	vld [tilespmem:s26+$0x5C00];
	v4 =	vadd.f32 v2, v4  }
0xc6: {  	v2 =	vld [tilespmem:s26+$0x5C10]  }
0xc7: {  	v14 =	vld [tilespmem:s26+$0x5C20];
	v3 =	vadd.f32 v3, v1  }
.Ltmp1:
0xc8: {  	v9 =	vld [tilespmem:s26+$0x5C30];
	(pc) =	sbr.rel @p1 .LBB2_6-.Ltmp1, $4  }
0xc9: {  	v8 =	vld [tilespmem:s26+$0x5C40];
	v1 =	vadd.f32 v12, v7  }
0xca: {  	v12 =	vadd.f32 v13, v6;
	v7 =	vld [tilespmem:s26+$0x5C50]  }
0xcb: {  	s28 =	sshra.s32 s29, $0x2;
	v10 =	vadd.f32 v2, v10;
	v6 =	vld [tilespmem:s26+$0x5C60]  }
0xcc: {  	s29 =	sadd.s32 $0x200, s29;
	v2 =	vld [tilespmem:s28+$0xC70];
	v12 =	vmax.f32 v12, $0.0e+00;
	v11 =	vadd.f32 v14, v11  }
0xcd: {  	v13 =	vld [tilespmem:s28+$0x3470];
	[tilespmem:s26+$0x8400] =	vst v12;
	v10 =	vmax.f32 v10, $0.0e+00;
	v5 =	vadd.f32 v9, v5  }
0xce: {  	v12 =	vld [tilespmem:s28+$0xC00];
	[tilespmem:s26+$0x8410] =	vst v10;
	v9 =	vmax.f32 v11, $0.0e+00;
	v4 =	vadd.f32 v8, v4  }
0xcf: {  	v10 =	vld [tilespmem:s28+$0x5C70];
	[tilespmem:s26+$0x8420] =	vst v9;
	v5 =	vmax.f32 v5, $0.0e+00;
	v3 =	vadd.f32 v7, v3  }
0xd0: {  	v8 =	vld [tilespmem:s28+$0x3400];
	[tilespmem:s26+$0x8430] =	vst v5;
	v4 =	vmax.f32 v4, $0.0e+00;
	v1 =	vadd.f32 v6, v1  }
0xd1: {  	v5 =	vld [tilespmem:s28+$0xC10];
	[tilespmem:s26+$0x8440] =	vst v4;
	v3 =	vmax.f32 v3, $0.0e+00  }
0xd2: {  	v4 =	vld [tilespmem:s28+$0x3410];
	[tilespmem:s26+$0x8450] =	vst v3;
	v1 =	vmax.f32 v1, $0.0e+00  }
0xd3: {  	v3 =	vld [tilespmem:s28+$0xC20];
	[tilespmem:s26+$0x8460] =	vst v1  }
0xd4: {  	v1 =	vld [tilespmem:s28+$0x3420]  }
0xd5: {  	v6 =	vld [tilespmem:s28+$0xC30]  }
0xd6: {  	v2 =	vadd.f32 v13, v2;
	v7 =	vld [tilespmem:s28+$0x3430]  }
0xd7: {  	v9 =	vld [tilespmem:s28+$0xC40]  }
0xd8: {  	v2 =	vadd.f32 v10, v2;
	v10 =	vld [tilespmem:s28+$0xC50]  }
0xd9: {  	v11 =	vld [tilespmem:s28+$0x3450]  }
0xda: {  	v13 =	vld [tilespmem:s28+$0xC60]  }
0xdb: {  	v14 =	vld [tilespmem:s28+$0x3460]  }
0xdc: {  	v15 =	vld [tilespmem:s28+$0x5C00]  }
0xdd: {  	v16 =	vld [tilespmem:s28+$0x5C10]  }
0xde: {  	v17 =	vld [tilespmem:s28+$0x5C20];
	v2 =	vmax.f32 v2, $0.0e+00  }
0xdf: {  	[tilespmem:s28+$0x8470] =	vst v2;
	v2 =	vld [tilespmem:s28+$0x3440]  }
0xe0: {  	v8 =	vadd.f32 v8, v12;
	v12 =	vld [tilespmem:s28+$0x5C30]  }
0xe1: {  	v4 =	vadd.f32 v4, v5;
	v5 =	vld [tilespmem:s28+$0x5C40]  }
0xe2: {  	v1 =	vadd.f32 v1, v3;
	v3 =	vadd.f32 v15, v8;
	v8 =	vld [tilespmem:s28+$0x5C50]  }
0xe3: {  	v6 =	vadd.f32 v7, v6;
	v4 =	vadd.f32 v16, v4;
	v7 =	vld [tilespmem:s28+$0x5C60]  }
0xe4: {  	v3 =	vmax.f32 v3, $0.0e+00;
	v1 =	vadd.f32 v17, v1;
	v2 =	vadd.f32 v2, v9  }
0xe5: {  	v9 =	vadd.f32 v11, v10;
	[tilespmem:s28+$0x8400] =	vst v3;
	v3 =	vmax.f32 v4, $0.0e+00;
	v4 =	vadd.f32 v12, v6  }
0xe6: {  	v6 =	vadd.f32 v14, v13;
	[tilespmem:s28+$0x8410] =	vst v3;
	v1 =	vmax.f32 v1, $0.0e+00;
	v2 =	vadd.f32 v5, v2  }
0xe7: {  	[tilespmem:s28+$0x8420] =	vst v1;
	v1 =	vmax.f32 v4, $0.0e+00;
	v3 =	vadd.f32 v8, v9  }
0xe8: {  	p1 =	seq.s32 s22, $0x3;
	[tilespmem:s28+$0x8430] =	vst v1;
	v1 =	vmax.f32 v2, $0.0e+00;
	v2 =	vadd.f32 v7, v6  }
0xe9: {  	p2 =	sgt.u32 @!p1 s24, $0xF9D;
	[tilespmem:s28+$0x8440] =	vst v1;
	v1 =	vmax.f32 v3, $0.0e+00  }
0xea: {  	s29 =	sand.u32 $0x3FFFFF00, s25;
	p2 =	por p2, p1;
	[tilespmem:s28+$0x8450] =	vst v1;
	v1 =	vmax.f32 v2, $0.0e+00  }
0xeb: {  	s24 =	smul.u32 @!p2 $0x1400, s24;
	s26 =	sadd.s32 $0x800, s29;
	[tilespmem:s28+$0x8460] =	vst v1  }
0xec: {  	[spmem:s3] =	stream.indirect.scatter.add.f32 [tilespmem:s30], [sflag:$0x7], $0x80, s26, s12, $0xb8;
	[tilespmem:$0x1D800] =	vst v63  }
0xed: {  	_ =	swait.ge [sflag:s31], $0x1400  }
0xee: {  	s24 =	sshrl.u32 @!p2 s24, $0x3;
	s29 =	simm.s32 @!p1 $0xC00;
	[sflag:s31] =	ssyncset.done $0x0  }
0xef: {  	s28 =	simm.s32 @!p1 $0x28;
	s26 =	sadd.s32 @!p1 $0x100, s25;
	[sflag:s31] =	ssyncadd.s32 $0xFFFFEC00  }
0xf0: {  	[tilespmem:s29], [sflag:$0x1] =	stream.indirect.gather @!p1 [hbm4b:s1+s28], $0x80, s26, s28, $0xb8;
	[tilespmem:$0x1D800] =	vst v63  }
0xf1: {  	s24 =	sadd.s32 @!p2 s2, s24;
	s25 =	sadd.s32 @!p1 $0x500, s25;
	s26 =	simm.s32 @!p1 $0x3400  }
0xf2: {  	[tilespmem:s26], [sflag:$0x3] =	stream.indirect.gather @!p1 [hbm4b:s6+s28], $0x80, s25, s28, $0xb8;
	[tilespmem:$0x1D800] =	vst v63  }
0xf3: {  	s24 =	sadd.s32 @!p2 $0x500, s24;
	s25 =	simm.s32 @!p2 $0x0;
	s26 =	simm.s32 @!p2 $0x5C00  }
0xf4: {  	[tilespmem:s26], [sflag:$0x5] =	stream.linear.gather @!p2 [hbm4b:s24+s25], $0x1400, $0x38;
	[tilespmem:$0x1D800] =	vst v63  }
0xf5: {  	_ =	swait.ge [sflag:s17], $0x1400  }
0xf6: {  	[sflag:s17] =	ssyncset.done $0x0  }
0xf7: {  	[sflag:s17] =	ssyncadd.s32 $0xFFFFEC00  }
0xf8: {  	_ =	swait.ge [sflag:s18], $0x1400  }
0xf9: {  	[sflag:s18] =	ssyncset.done $0x0  }
0xfa: {  	s24 =	simm.s32 @!p0 $0x6;
	[sflag:s18] =	ssyncadd.s32 $0xFFFFEC00  }
0xfb: {  	_ =	swait.ge @!p0 [sflag:s24], $0x1400  }
0xfc: {  	[sflag:s24] =	ssyncset.done @!p0 $0x0  }
0xfd: {  	[sflag:s24] =	ssyncadd.s32 @!p0 $0xFFFFEC00;
	s24 =	simm.s32 $0x0  }
0xfe: {  	v1 =	vld [tilespmem:s24+$0x2070]  }
0xff: {  	v2 =	vld [tilespmem:s24+$0x4870]  }
0x100: {  	v3 =	vld [tilespmem:s24+$0x2000]  }
0x101: {  	v4 =	vld [tilespmem:s24+$0x7070]  }
0x102: {  	v5 =	vld [tilespmem:s24+$0x4800]  }
0x103: {  	v6 =	vld [tilespmem:s24+$0x2010]  }
0x104: {  	v7 =	vld [tilespmem:s24+$0x4810]  }
0x105: {  	v8 =	vld [tilespmem:s24+$0x4820]  }
0x106: {  	v10 =	vld [tilespmem:s24+$0x4830]  }
0x107: {  	v11 =	vld [tilespmem:s24+$0x2040]  }
0x108: {  	v12 =	vld [tilespmem:s24+$0x2050]  }
0x109: {  	v13 =	vld [tilespmem:s24+$0x4850]  }
0x10a: {  	v14 =	vld [tilespmem:s24+$0x2060];
	v1 =	vadd.f32 v2, v1  }
0x10b: {  	v15 =	vld [tilespmem:s24+$0x4860]  }
0x10c: {  	v62 =	vld [tilespmem:s24+$0x7000];
	v1 =	vadd.f32 v4, v1  }
0x10d: {  	v2 =	vld [tilespmem:s24+$0x2020]  }
0x10e: {  	v4 =	vld [tilespmem:s24+$0x2030];
	v1 =	vmax.f32 v1, $0.0e+00  }
0x10f: {  	[tilespmem:s24+$0x8470] =	vst v1;
	v1 =	vld [tilespmem:s24+$0x4840]  }
0x110: {  	v63 =	vld [tilespmem:s24+$0x7010]  }
0x111: {  	v18 =	vld [tilespmem:s24+$0x7020]  }
0x112: {  	v9 =	vld [tilespmem:s24+$0x7030];
	v3 =	vadd.f32 v5, v3;
	v19 =	vadd.f32 v7, v6  }
0x113: {  	v20 =	vadd.f32 v8, v2;
	v8 =	vld [tilespmem:s24+$0x7040];
	v5 =	vadd.f32 v10, v4  }
0x114: {  	v7 =	vld [tilespmem:s24+$0x7050];
	v4 =	vadd.f32 v1, v11;
	v11 =	vadd.f32 v62, v3  }
0x115: {  	s25 =	simm.s32 $0x80;
	v6 =	vld [tilespmem:s24+$0x7060];
	v10 =	vadd.f32 v63, v19;
	v3 =	vadd.f32 v13, v12  }
0x116: {  	s26 =	simm.s32 $0x400;
	v2 =	vld [tilespmem:s25+$0x2070];
	v1 =	vadd.f32 v15, v14;
	v12 =	vmax.f32 v11, $0.0e+00;
	v11 =	vadd.f32 v18, v20  }
.LBB2_8:
0x117: {  	p0 =	sne.s32 s26, $0x4E00;
	v13 =	vld [tilespmem:s25+$0x4870];
	[tilespmem:s24+$0x8400] =	vst v12;
	v10 =	vmax.f32 v10, $0.0e+00;
	v5 =	vadd.f32 v9, v5  }
0x118: {  	v9 =	vld [tilespmem:s25+$0x2000];
	[tilespmem:s24+$0x8410] =	vst v10;
	v10 =	vmax.f32 v11, $0.0e+00;
	v4 =	vadd.f32 v8, v4  }
0x119: {  	v8 =	vld [tilespmem:s25+$0x7070];
	[tilespmem:s24+$0x8420] =	vst v10;
	v5 =	vmax.f32 v5, $0.0e+00;
	v3 =	vadd.f32 v7, v3  }
0x11a: {  	v7 =	vld [tilespmem:s25+$0x4800];
	[tilespmem:s24+$0x8430] =	vst v5;
	v4 =	vmax.f32 v4, $0.0e+00;
	v1 =	vadd.f32 v6, v1  }
0x11b: {  	v5 =	vld [tilespmem:s25+$0x2010];
	[tilespmem:s24+$0x8440] =	vst v4;
	v3 =	vmax.f32 v3, $0.0e+00  }
0x11c: {  	v4 =	vld [tilespmem:s25+$0x4810];
	v2 =	vadd.f32 v13, v2;
	[tilespmem:s24+$0x8450] =	vst v3;
	v1 =	vmax.f32 v1, $0.0e+00  }
0x11d: {  	v3 =	vld [tilespmem:s25+$0x2020];
	[tilespmem:s24+$0x8460] =	vst v1;
	s24 =	smov.u32 s25  }
0x11e: {  	v1 =	vld [tilespmem:s24+$0x4820];
	v2 =	vadd.f32 v8, v2  }
0x11f: {  	v6 =	vadd.f32 v7, v9;
	v7 =	vld [tilespmem:s24+$0x2030]  }
0x120: {  	v8 =	vld [tilespmem:s24+$0x4830];
	v2 =	vmax.f32 v2, $0.0e+00  }
0x121: {  	v10 =	vadd.f32 v4, v5;
	v4 =	vld [tilespmem:s24+$0x2040];
	[tilespmem:s24+$0x8470] =	vst v2  }
0x122: {  	v2 =	vld [tilespmem:s24+$0x4840]  }
0x123: {  	v11 =	vadd.f32 v1, v3;
	v1 =	vld [tilespmem:s24+$0x2050]  }
0x124: {  	v3 =	vld [tilespmem:s24+$0x4850]  }
0x125: {  	v5 =	vadd.f32 v8, v7;
	v7 =	vld [tilespmem:s24+$0x2060]  }
0x126: {  	v12 =	vld [tilespmem:s24+$0x4860]  }
0x127: {  	v13 =	vld [tilespmem:s24+$0x7000];
	v4 =	vadd.f32 v2, v4  }
0x128: {  	v2 =	vld [tilespmem:s24+$0x7010]  }
0x129: {  	v14 =	vld [tilespmem:s24+$0x7020];
	v3 =	vadd.f32 v3, v1  }
.Ltmp2:
0x12a: {  	v9 =	vld [tilespmem:s24+$0x7030];
	(pc) =	sbr.rel @p0 .LBB2_8-.Ltmp2, $4  }
0x12b: {  	v8 =	vld [tilespmem:s24+$0x7040];
	v1 =	vadd.f32 v12, v7  }
0x12c: {  	v12 =	vadd.f32 v13, v6;
	v7 =	vld [tilespmem:s24+$0x7050]  }
0x12d: {  	s25 =	sshra.s32 s26, $0x2;
	v10 =	vadd.f32 v2, v10;
	v6 =	vld [tilespmem:s24+$0x7060]  }
0x12e: {  	s26 =	sadd.s32 $0x200, s26;
	v2 =	vld [tilespmem:s25+$0x2070];
	v12 =	vmax.f32 v12, $0.0e+00;
	v11 =	vadd.f32 v14, v11  }
0x12f: {  	v13 =	vld [tilespmem:s25+$0x4870];
	[tilespmem:s24+$0x8400] =	vst v12;
	v10 =	vmax.f32 v10, $0.0e+00;
	v5 =	vadd.f32 v9, v5  }
0x130: {  	v12 =	vld [tilespmem:s25+$0x2000];
	[tilespmem:s24+$0x8410] =	vst v10;
	v50 =	vmax.f32 v11, $0.0e+00;
	v4 =	vadd.f32 v8, v4  }
0x131: {  	v10 =	vld [tilespmem:s25+$0x7070];
	[tilespmem:s24+$0x8420] =	vst v50;
	v5 =	vmax.f32 v5, $0.0e+00;
	v3 =	vadd.f32 v7, v3  }
0x132: {  	v51 =	vld [tilespmem:s25+$0x4800];
	[tilespmem:s24+$0x8430] =	vst v5;
	v4 =	vmax.f32 v4, $0.0e+00;
	v1 =	vadd.f32 v6, v1  }
0x133: {  	v5 =	vld [tilespmem:s25+$0x2010];
	[tilespmem:s24+$0x8440] =	vst v4;
	v3 =	vmax.f32 v3, $0.0e+00  }
0x134: {  	v4 =	vld [tilespmem:s25+$0x4810];
	[tilespmem:s24+$0x8450] =	vst v3;
	v1 =	vmax.f32 v1, $0.0e+00  }
0x135: {  	v3 =	vld [tilespmem:s25+$0x2020];
	[tilespmem:s24+$0x8460] =	vst v1  }
0x136: {  	v1 =	vld [tilespmem:s25+$0x4820]  }
0x137: {  	v52 =	vld [tilespmem:s25+$0x2030]  }
0x138: {  	v53 =	vld [tilespmem:s25+$0x4830]  }
0x139: {  	v9 =	vld [tilespmem:s25+$0x2040]  }
0x13a: {  	v54 =	vld [tilespmem:s25+$0x2050]  }
0x13b: {  	v55 =	vld [tilespmem:s25+$0x4850]  }
0x13c: {  	v2 =	vadd.f32 v13, v2;
	v56 =	vld [tilespmem:s25+$0x2060]  }
0x13d: {  	v14 =	vld [tilespmem:s25+$0x4860]  }
0x13e: {  	v2 =	vadd.f32 v10, v2;
	v15 =	vld [tilespmem:s25+$0x7000]  }
0x13f: {  	v16 =	vld [tilespmem:s25+$0x7010]  }
0x140: {  	v17 =	vld [tilespmem:s25+$0x7020];
	v2 =	vmax.f32 v2, $0.0e+00  }
0x141: {  	[tilespmem:s25+$0x8470] =	vst v2;
	v2 =	vld [tilespmem:s25+$0x4840]  }
0x142: {  	v57 =	vld [tilespmem:s25+$0x7030];
	v8 =	vadd.f32 v51, v12  }
0x143: {  	v58 =	vld [tilespmem:s25+$0x7040];
	v4 =	vadd.f32 v4, v5  }
0x144: {  	v59 =	vld [tilespmem:s25+$0x7050];
	v1 =	vadd.f32 v1, v3;
	v3 =	vadd.f32 v15, v8  }
0x145: {  	v60 =	vld [tilespmem:s25+$0x7060];
	v6 =	vadd.f32 v53, v52;
	v4 =	vadd.f32 v16, v4  }
0x146: {  	v1 =	vadd.f32 v17, v1;
	v3 =	vmax.f32 v3, $0.0e+00;
	v2 =	vadd.f32 v2, v9  }
0x147: {  	v61 =	vadd.f32 v55, v54;
	v62 =	vadd.f32 v57, v6;
	[tilespmem:s25+$0x8400] =	vst v3;
	v3 =	vmax.f32 v4, $0.0e+00  }
0x148: {  	v63 =	vadd.f32 v14, v56;
	[tilespmem:s25+$0x8410] =	vst v3;
	v1 =	vmax.f32 v1, $0.0e+00;
	v2 =	vadd.f32 v58, v2  }
0x149: {  	v3 =	vadd.f32 v59, v61;
	[tilespmem:s25+$0x8420] =	vst v1;
	v1 =	vmax.f32 v62, $0.0e+00  }
0x14a: {  	[tilespmem:s25+$0x8430] =	vst v1;
	v1 =	vmax.f32 v2, $0.0e+00;
	v2 =	vadd.f32 v60, v63  }
0x14b: {  	s22 =	sadd.s32 $0x1, s22;
	[tilespmem:s25+$0x8440] =	vst v1;
	v1 =	vmax.f32 v3, $0.0e+00  }
0x14c: {  	p0 =	sne.s32 s22, $0x4;
	[tilespmem:s25+$0x8450] =	vst v1;
	v1 =	vmax.f32 v2, $0.0e+00  }
.Ltmp3:
0x14d: {  	s23 =	sadd.s32 $0x800, s23;
	[tilespmem:s25+$0x8460] =	vst v1;
	(pc) =	sbr.rel @p0 .LBB2_5-.Ltmp3, $4  }
0x14e: {  	[spmem:s3] =	stream.indirect.scatter.add.f32 [tilespmem:s30], [sflag:$0x7], $0x80, s23, s12, $0xb8;
	[tilespmem:$0x1D800] =	vst v63  }
0x14f: {  	_ =	swait.ge [sflag:s31], $0x1400  }
0x150: {  	[sflag:s31] =	ssyncset.done $0x0  }
0x151: {  	[sflag:s31] =	ssyncadd.s32 $0xFFFFEC00  }
0x152: {  	s20 =	sadd.s32 $0x1, s20  }
0x153: {  	p0 =	sne.s32 s20, $0x10  }
.Ltmp4:
0x154: {  	_ = 	snop;
	(pc) =	sbr.rel @p0 .LBB2_4-.Ltmp4, $1  }
0x155: {  	_ =	sdelay $0x3  }
0x156: {  	s20 =	stileid.u32  }
0x157: {  	[bflag:$0x0] =	sbarrier.arrive $0xFFFF;
	s20 =	sshll.u32 s20, $0x6  }
0x158: {  	s21 =	sshrl.u32 s10, $0x3;
	s22 =	rddreg [dreg:$0x12];
	s20 =	sor.u32 $0x1C07, s20  }
0x159: {  	[hbm:s22], [sflag:s20] =	dma.local [spmem:s21], $0x2800  }
0x15a: {  	_ =	swait.ge [sflag:s31], $0x2800  }
0x15b: {  	s19 =	sadd.s32 $0x1, s19;
	s29 =	rddreg [dreg:$0x11]  }
0x15c: {  	p0 =	sne.s32 s19, s29  }
.Ltmp5:
0x15d: {  	_ = 	snop;
	(pc) =	sbr.rel @p0 .LBB2_1-.Ltmp5, $3  }
0x15e: {  	_ =	sdelay $0x1  }
0x15f: {  	[sflag:s31] =	ssyncset.done $0x0  }
0x160: {  	[sflag:s31] =	ssyncadd.s32 $0xFFFFD800  }
0x161: {  	_ =	sfence.sel $0x180000  }
0x162: {  	[bflag:$0x0] =	sbarrier.arrive $0xFFFF  }
0x163: {  	_ =	strace $0x90000047  }
0x164: {  	s0 =	stileid.u32;
	[bflag:$0x2] =	sbarrier.arrive $0xFFFF  }
0x165: {  	p0 =	sne.s32 s0, $0x0;
	s0 =	rddreg [dreg:$0x4]  }
0x166: {  	s0 =	sadd.s32 @!p0 $0x100000, s0  }
0x167: {  	[sflag:s0] =	ssyncadd.tile.s32 @!p0 $0x1;
	_ =	shalt  }
.Lfunc_end2:
_tile_overlayer_lowered:
.L_overlay_start_2:
0x168: {  	(tag) =	ssettag $0x2  }
0x169: {  	s0 =	rddreg [dreg:$0x0];
	s2 =	stileid.u32  }
0x16a: {  	s1 =	rddreg [dreg:$0x1];
	p0 =	sne.s32 s2, $0x0  }
0x16b: {  	s3 =	rddreg [dreg:$0x2];
	[bflag:$0x3] =	sbarrier.arrive $0xFFFF;
	s2 =	simm.s32 @!p0 $0x1C07  }
0x16c: {  	[timem:s3], [sflag:s2] =	dma.local @!p0 [hbm:s0], s1  }
0x16d: {  	s0 =	simm.s32 @!p0 $0x7  }
0x16e: {  	_ =	swait.ge @!p0 [sflag:s0], s1  }
0x16f: {  	s1 =	ssub.s32 @!p0 $0x0, s1;
	[sflag:s0] =	ssyncset.done @!p0 $0x0  }
0x170: {  	[sflag:s0] =	ssyncadd.s32 @!p0 s1  }
0x171: {  	[bflag:$0x3] =	sbarrier.arrive $0xFFFF  }
0x172: {  	_ =	shalt  }

</sc_bundles>
